<compile_context>
chip_gen: v7x
topology: tpu7x:2x2x1
jax: 0.10.2.dev20260603
libtpu: 0.0.44.dev20260713+nightly
codegen_flags: <defaults>
</compile_context>

<pallas_src>
import jax
import jax.numpy as jnp
from jax import lax
from jax.experimental import pallas as pl
from jax.experimental.pallas import tpu as pltpu
from jax.experimental.pallas import tpu_sc as plsc

PAD = 1
B = 4
T = 2048
D = 1024
NC = 2
NS = 16
L = 16
NW = NC * NS
TOK_PER_W = (B * T) // NW
SEG_PER_ROW = T // TOK_PER_W
CHUNK = 16
NCHUNK = TOK_PER_W // CHUNK
VREGS_PER_SEG = TOK_PER_W // L
NBUF = 6


def _body(x_hbm, table_hbm, out_hbm, xrow_ref, *rest):
    idxs = rest[:NCHUNK]
    bufs = rest[NCHUNK:NCHUNK + NBUF]
    gsems = rest[NCHUNK + NBUF:NCHUNK + 2 * NBUF]
    ssems = rest[NCHUNK + 2 * NBUF:NCHUNK + 3 * NBUF]

    wid = lax.axis_index("s") * NC + lax.axis_index("c")
    row = wid // SEG_PER_ROW
    seg = wid % SEG_PER_ROW

    pltpu.sync_copy(x_hbm.at[row], xrow_ref)

    def acc_body(j, acc):
        v = xrow_ref[pl.ds(j * L, L)]
        return acc + jnp.sum((v != PAD).astype(jnp.int32))

    carry = lax.fori_loop(0, seg * VREGS_PER_SEG, acc_body, jnp.int32(0))

    for k in range(VREGS_PER_SEG):
        i = seg * VREGS_PER_SEG + k
        v = xrow_ref[pl.ds(i * L, L)]
        m = (v != PAD).astype(jnp.int32)
        pos = (jnp.cumsum(m) + carry) * m + PAD
        idxs[(k * L) // CHUNK][pl.ds((k * L) % CHUNK, L)] = pos
        carry = carry + jnp.sum(m)

    base = wid * TOK_PER_W
    handles_g = [None] * NBUF
    handles_s = [None] * NBUF
    for c in range(NBUF - 1):
        b = c % NBUF
        handles_g[b] = pltpu.async_copy(table_hbm.at[idxs[c]], bufs[b], gsems[b])
    for c in range(NCHUNK):
        b = c % NBUF
        nc = c + NBUF - 1
        if nc < NCHUNK:
            nb = nc % NBUF
            if handles_s[nb] is not None:
                handles_s[nb].wait()
            handles_g[nb] = pltpu.async_copy(
                table_hbm.at[idxs[nc]], bufs[nb], gsems[nb]
            )
        handles_g[b].wait()
        handles_s[b] = pltpu.async_copy(
            bufs[b], out_hbm.at[pl.ds(base + c * CHUNK, CHUNK)], ssems[b]
        )
    for b in range(NBUF):
        handles_s[b].wait()


_lookup = pl.kernel(
    _body,
    out_type=jax.ShapeDtypeStruct((B * T, D), jnp.float32),
    mesh=plsc.VectorSubcoreMesh(
        core_axis_name="c", subcore_axis_name="s", num_cores=NC, num_subcores=NS
    ),
    scratch_types=(
        [pltpu.VMEM((T,), jnp.int32)]
        + [pltpu.VMEM((CHUNK,), jnp.int32) for _ in range(NCHUNK)]
        + [pltpu.VMEM((CHUNK, D), jnp.float32) for _ in range(NBUF)]
        + [pltpu.SemaphoreType.DMA for _ in range(2 * NBUF)]
    ),
    compiler_params=pltpu.CompilerParams(needs_layout_passes=False),
)


def kernel(x, table):
    out = _lookup(x, table)
    return out.reshape(B, T, D)

# --- scband reference (transcript-rebuilt; emitter-appended) ---
"""Pipeline reference for scband-positional-embedding-36498632081983 (READ-ONLY COPY).

The authoritative reference and input builder live on the scoring server;
editing this copy changes nothing except your own understanding.
"""

import jax, jax.numpy as jnp
import numpy as np

PADDING_IDX = 1
NUM_EMBEDDINGS = 2050
EMBEDDING_DIM = 1024


def setup_inputs(seed: int = 0) -> dict:
    key = jax.random.key(seed)
    k1, k2 = jax.random.split(key)
    # token ids (forward arg); only compared against padding_idx to derive positions
    x = jax.random.randint(k1, (4, 2048), 0, 50000, dtype=jnp.int32)
    # learned positional embedding table (module parameter)
    table = jax.random.normal(k2, (NUM_EMBEDDINGS, EMBEDDING_DIM), dtype=jnp.float32) * 0.02
    return {"x": x, "table": table}


def make_positions(x, padding_idx):
    # fairseq-style: positions start at padding_idx + 1, pads get padding_idx
    mask = (x != padding_idx).astype(jnp.int32)
    positions = jnp.cumsum(mask, axis=1) * mask + padding_idx
    return positions


def reference(x, table):
    positions = make_positions(x, PADDING_IDX)
    out = jnp.take(table, positions, axis=0)
    return out

if __name__ == "__main__":
    import jax
    _d = setup_inputs()
    print(jax.jit(kernel)(*tuple(_d.values())))

</pallas_src>

<mosaic_0001>
#map = affine_map<(d0, d1) -> (0, 0)>
module attributes {stable_mosaic.version = 14 : i64} {
  func.func @_body(%arg0: i32, %arg1: i32, %arg2: memref<4x2048xi32, #tpu.memory_space<hbm>>, %arg3: memref<2050x1024xf32, #tpu.memory_space<hbm>>, %arg4: memref<8192x1024xf32, #tpu.memory_space<hbm>>, %arg5: memref<2048xi32, #tpu.memory_space<vmem>>, %arg6: memref<16xi32, #tpu.memory_space<vmem>>, %arg7: memref<16xi32, #tpu.memory_space<vmem>>, %arg8: memref<16xi32, #tpu.memory_space<vmem>>, %arg9: memref<16xi32, #tpu.memory_space<vmem>>, %arg10: memref<16xi32, #tpu.memory_space<vmem>>, %arg11: memref<16xi32, #tpu.memory_space<vmem>>, %arg12: memref<16xi32, #tpu.memory_space<vmem>>, %arg13: memref<16xi32, #tpu.memory_space<vmem>>, %arg14: memref<16xi32, #tpu.memory_space<vmem>>, %arg15: memref<16xi32, #tpu.memory_space<vmem>>, %arg16: memref<16xi32, #tpu.memory_space<vmem>>, %arg17: memref<16xi32, #tpu.memory_space<vmem>>, %arg18: memref<16xi32, #tpu.memory_space<vmem>>, %arg19: memref<16xi32, #tpu.memory_space<vmem>>, %arg20: memref<16xi32, #tpu.memory_space<vmem>>, %arg21: memref<16xi32, #tpu.memory_space<vmem>>, %arg22: memref<16x1024xf32, #tpu.memory_space<vmem>>, %arg23: memref<16x1024xf32, #tpu.memory_space<vmem>>, %arg24: memref<16x1024xf32, #tpu.memory_space<vmem>>, %arg25: memref<16x1024xf32, #tpu.memory_space<vmem>>, %arg26: memref<16x1024xf32, #tpu.memory_space<vmem>>, %arg27: memref<16x1024xf32, #tpu.memory_space<vmem>>, %arg28: memref<!tpu.dma_semaphore, #tpu.memory_space<semaphore_mem>>, %arg29: memref<!tpu.dma_semaphore, #tpu.memory_space<semaphore_mem>>, %arg30: memref<!tpu.dma_semaphore, #tpu.memory_space<semaphore_mem>>, %arg31: memref<!tpu.dma_semaphore, #tpu.memory_space<semaphore_mem>>, %arg32: memref<!tpu.dma_semaphore, #tpu.memory_space<semaphore_mem>>, %arg33: memref<!tpu.dma_semaphore, #tpu.memory_space<semaphore_mem>>, %arg34: memref<!tpu.dma_semaphore, #tpu.memory_space<semaphore_mem>>, %arg35: memref<!tpu.dma_semaphore, #tpu.memory_space<semaphore_mem>>, %arg36: memref<!tpu.dma_semaphore, #tpu.memory_space<semaphore_mem>>, %arg37: memref<!tpu.dma_semaphore, #tpu.memory_space<semaphore_mem>>, %arg38: memref<!tpu.dma_semaphore, #tpu.memory_space<semaphore_mem>>, %arg39: memref<!tpu.dma_semaphore, #tpu.memory_space<semaphore_mem>>) attributes {dimension_semantics = [#tpu.dimension_semantics<core_parallel>, #tpu.dimension_semantics<subcore_parallel>], iteration_bounds = array<i64: 2, 16>, scalar_prefetch = 0 : i64, scratch_operands = 35 : i64, tpu.core_type = #tpu.core_type<sc_vector_subcore>, window_params = [{transform_indices = #map}, {transform_indices = #map}, {transform_indices = #map}]} {
    %mul3A = arith.constant 2 : i32
    %mul3A_0 = arith.muli %arg1, %mul3A : i32
    %add3A = arith.addi %mul3A_0, %arg0 : i32
    %jit3A = arith.constant 8 : i32
    %div3A = arith.divsi %add3A, %jit3A : i32
    %sign3A = arith.constant 0 : i32
    %sign3A_1 = arith.cmpi sgt, %add3A, %sign3A : i32
    %sign3A_2 = arith.extui %sign3A_1 : i1 to i32
    %sign3A_3 = arith.constant 0 : i32
    %sign3A_4 = arith.cmpi slt, %add3A, %sign3A_3 : i32
    %sign3A_5 = arith.extui %sign3A_4 : i1 to i32
    %sign3A_6 = arith.subi %sign3A_2, %sign3A_5 : i32
    %sign3A_7 = arith.constant 0 : i32
    %sign3A_8 = arith.cmpi sgt, %jit3A, %sign3A_7 : i32
    %sign3A_9 = arith.extui %sign3A_8 : i1 to i32
    %sign3A_10 = arith.constant 0 : i32
    %sign3A_11 = arith.cmpi slt, %jit3A, %sign3A_10 : i32
    %sign3A_12 = arith.extui %sign3A_11 : i1 to i32
    %sign3A_13 = arith.subi %sign3A_9, %sign3A_12 : i32
    %ne3A = arith.cmpi ne, %sign3A_6, %sign3A_13 : i32
    %rem3A = arith.remsi %add3A, %jit3A : i32
    %ne3A_14 = arith.constant 0 : i32
    %ne3A_15 = arith.cmpi ne, %rem3A, %ne3A_14 : i32
    %and3A = arith.andi %ne3A, %ne3A_15 : i1
    %sub3A = arith.constant 1 : i32
    %sub3A_16 = arith.subi %div3A, %sub3A : i32
    %select_n3A = arith.select %and3A, %sub3A_16, %div3A : i32
    %jit3A_17 = arith.constant 8 : i32
    %eq3A = arith.constant 0 : i32
    %eq3A_18 = arith.cmpi eq, %jit3A_17, %eq3A : i32
    %jit3A_19 = arith.constant 1 : i32
    %select_n3A_20 = arith.select %eq3A_18, %jit3A_19, %jit3A_17 : i32
    %rem3A_21 = arith.remsi %add3A, %select_n3A_20 : i32
    %ne3A_22 = arith.constant 0 : i32
    %ne3A_23 = arith.cmpi ne, %rem3A_21, %ne3A_22 : i32
    %lt3A = arith.constant 0 : i32
    %lt3A_24 = arith.cmpi slt, %rem3A_21, %lt3A : i32
    %lt3A_25 = arith.constant 0 : i32
    %lt3A_26 = arith.cmpi slt, %select_n3A_20, %lt3A_25 : i32
    %ne3A_27 = arith.xori %lt3A_24, %lt3A_26 : i1
    %and3A_28 = arith.andi %ne3A_27, %ne3A_23 : i1
    %add3A_29 = arith.addi %rem3A_21, %select_n3A_20 : i32
    %select_n3A_30 = arith.select %and3A_28, %add3A_29, %rem3A_21 : i32
    "tpu.region"() ({
      %run_scoped3A = tpu.sem_alloc : memref<!tpu.dma_semaphore, #tpu.memory_space<semaphore_mem>>
      %dma_start3A_743 = arith.constant 0 : i32
      %dma_start3A_744 = tpu.memref_slice %arg2[%select_n3A, %dma_start3A_743] : memref<4x2048xi32, #tpu.memory_space<hbm>> -> memref<1x2048xi32, #tpu.memory_space<hbm>>
      %dma_start3A_745 = tpu.memref_squeeze %dma_start3A_744 : memref<1x2048xi32, #tpu.memory_space<hbm>> -> memref<2048xi32, #tpu.memory_space<hbm>>
      %dma_start3A_746 = arith.constant 0 : i32
      %dma_start3A_747 = tpu.memref_slice %arg2[%select_n3A, %dma_start3A_746] : memref<4x2048xi32, #tpu.memory_space<hbm>> -> memref<1x2048xi32, #tpu.memory_space<hbm>>
      %dma_start3A_748 = tpu.memref_squeeze %dma_start3A_747 : memref<1x2048xi32, #tpu.memory_space<hbm>> -> memref<2048xi32, #tpu.memory_space<hbm>>
      tpu.enqueue_dma source(%dma_start3A_748 : memref<2048xi32, #tpu.memory_space<hbm>>) target(%arg5 : memref<2048xi32, #tpu.memory_space<vmem>>) target_semaphore(%run_scoped3A : memref<!tpu.dma_semaphore, #tpu.memory_space<semaphore_mem>>)
      %dma_wait3A_749 = arith.constant 0 : i32
      %dma_wait3A_750 = tpu.memref_slice %arg2[%select_n3A, %dma_wait3A_749] : memref<4x2048xi32, #tpu.memory_space<hbm>> -> memref<1x2048xi32, #tpu.memory_space<hbm>>
      %dma_wait3A_751 = tpu.memref_squeeze %dma_wait3A_750 : memref<1x2048xi32, #tpu.memory_space<hbm>> -> memref<2048xi32, #tpu.memory_space<hbm>>
      %dma_wait3A_752 = arith.constant 0 : i32
      %dma_wait3A_753 = tpu.memref_slice %arg2[%select_n3A, %dma_wait3A_752] : memref<4x2048xi32, #tpu.memory_space<hbm>> -> memref<1x2048xi32, #tpu.memory_space<hbm>>
      %dma_wait3A_754 = tpu.memref_squeeze %dma_wait3A_753 : memref<1x2048xi32, #tpu.memory_space<hbm>> -> memref<2048xi32, #tpu.memory_space<hbm>>
      tpu.wait_dma2 semaphore(%run_scoped3A : memref<!tpu.dma_semaphore, #tpu.memory_space<semaphore_mem>>) src(%dma_wait3A_754 : memref<2048xi32, #tpu.memory_space<hbm>>) dst(%arg5 : memref<2048xi32, #tpu.memory_space<vmem>>)
      tpu.yield
    }) : () -> ()
    %mul3A_31 = arith.constant 16 : i32
    %mul3A_32 = arith.muli %select_n3A_30, %mul3A_31 : i32
    %while3A = arith.constant 0 : i32
    %while3A_33 = arith.constant 0 : i32
    %while3A_34 = arith.subi %mul3A_32, %while3A : i32
    %while3A_35 = arith.addi %while3A, %while3A_34 : i32
    %while3A_36 = arith.constant 1 : i32
    %while3A_37 = arith.divsi %while3A_34, %while3A_36 : i32
    %while3A_38 = arith.muli %while3A_37, %while3A_36 : i32
    %while3A_39 = arith.addi %while3A, %while3A_38 : i32
    %while3A_40 = arith.constant 1 : i32
    %while3A_41 = scf.for %while3A_743 = %while3A to %while3A_39 step %while3A_40 iter_args(%while3A_744 = %while3A_33) -> (i32)  : i32 {
      %mul3A_745 = arith.constant 16 : i32
      %mul3A_746 = arith.muli %while3A_743, %mul3A_745 : i32
      %get3A_747 = arith.index_cast %mul3A_746 : i32 to index
      %get3A_748 = tpu.vector_load %arg5[%get3A_747] {strides = array<i32>} : memref<2048xi32, #tpu.memory_space<vmem>>, vector<16xi32>,
      %ne3A_749 = arith.constant 1 : i32
      %ne3A_750 = vector.broadcast %ne3A_749 : i32 to vector<16xi32>
      %ne3A_751 = arith.cmpi ne, %get3A_748, %ne3A_750 : vector<16xi32>
      %convert_element_type3A_752 = arith.extui %ne3A_751 : vector<16xi1> to vector<16xi32>
      %reduce_sum3A_753 = arith.constant true
      %reduce_sum3A_754 = vector.broadcast %reduce_sum3A_753 : i1 to vector<16xi1>
      %reduce_sum3A_755 = tpu.scan <sum>, %convert_element_type3A_752 masked %reduce_sum3A_754 : vector<16xi32>, vector<16xi1> -> vector<16xi32>
      %reduce_sum3A_756 = vector.extract %reduce_sum3A_755[15] : i32 from vector<16xi32>
      %add3A_757 = arith.addi %while3A_744, %reduce_sum3A_756 : i32
      scf.yield %add3A_757 : i32
    }
    %while3A_42 = arith.constant 1 : i32
    %while3A_43 = scf.for %while3A_743 = %while3A_39 to %while3A_35 step %while3A_42 iter_args(%while3A_744 = %while3A_41) -> (i32)  : i32 {
      %mul3A_745 = arith.constant 16 : i32
      %mul3A_746 = arith.muli %while3A_743, %mul3A_745 : i32
      %get3A_747 = arith.index_cast %mul3A_746 : i32 to index
      %get3A_748 = tpu.vector_load %arg5[%get3A_747] {strides = array<i32>} : memref<2048xi32, #tpu.memory_space<vmem>>, vector<16xi32>,
      %ne3A_749 = arith.constant 1 : i32
      %ne3A_750 = vector.broadcast %ne3A_749 : i32 to vector<16xi32>
      %ne3A_751 = arith.cmpi ne, %get3A_748, %ne3A_750 : vector<16xi32>
      %convert_element_type3A_752 = arith.extui %ne3A_751 : vector<16xi1> to vector<16xi32>
      %reduce_sum3A_753 = arith.constant true
      %reduce_sum3A_754 = vector.broadcast %reduce_sum3A_753 : i1 to vector<16xi1>
      %reduce_sum3A_755 = tpu.scan <sum>, %convert_element_type3A_752 masked %reduce_sum3A_754 : vector<16xi32>, vector<16xi1> -> vector<16xi32>
      %reduce_sum3A_756 = vector.extract %reduce_sum3A_755[15] : i32 from vector<16xi32>
      %add3A_757 = arith.addi %while3A_744, %reduce_sum3A_756 : i32
      scf.yield %add3A_757 : i32
    }
    %mul3A_44 = arith.constant 16 : i32
    %mul3A_45 = arith.muli %select_n3A_30, %mul3A_44 : i32
    %add3A_46 = arith.constant 0 : i32
    %add3A_47 = arith.addi %mul3A_45, %add3A_46 : i32
    %mul3A_48 = arith.constant 16 : i32
    %mul3A_49 = arith.muli %add3A_47, %mul3A_48 : i32
    %get3A = arith.index_cast %mul3A_49 : i32 to index
    %get3A_50 = tpu.vector_load %arg5[%get3A] {strides = array<i32>} : memref<2048xi32, #tpu.memory_space<vmem>>, vector<16xi32>,
    %ne3A_51 = arith.constant 1 : i32
    %ne3A_52 = vector.broadcast %ne3A_51 : i32 to vector<16xi32>
    %ne3A_53 = arith.cmpi ne, %get3A_50, %ne3A_52 : vector<16xi32>
    %convert_element_type3A = arith.extui %ne3A_53 : vector<16xi1> to vector<16xi32>
    %cumsum3A = arith.constant true
    %cumsum3A_54 = vector.broadcast %cumsum3A : i1 to vector<16xi1>
    %cumsum3A_55 = tpu.scan <sum>, %convert_element_type3A masked %cumsum3A_54 : vector<16xi32>, vector<16xi1> -> vector<16xi32>
    %add3A_56 = vector.broadcast %while3A_43 : i32 to vector<16xi32>
    %add3A_57 = arith.addi %cumsum3A_55, %add3A_56 : vector<16xi32>
    %mul3A_58 = arith.muli %add3A_57, %convert_element_type3A : vector<16xi32>
    %add3A_59 = arith.constant 1 : i32
    %add3A_60 = vector.broadcast %add3A_59 : i32 to vector<16xi32>
    %add3A_61 = arith.addi %mul3A_58, %add3A_60 : vector<16xi32>
    %swap3A = arith.constant 0 : index
    %swap3A_62 = tpu.vector_load %arg6[%swap3A] {strides = array<i32>} : memref<16xi32, #tpu.memory_space<vmem>>, vector<16xi32>,
    tpu.vector_store %arg6[%swap3A], %add3A_61 {strides = array<i32>} : memref<16xi32, #tpu.memory_space<vmem>>, vector<16xi32>,
    %reduce_sum3A = arith.constant true
    %reduce_sum3A_63 = vector.broadcast %reduce_sum3A : i1 to vector<16xi1>
    %reduce_sum3A_64 = tpu.scan <sum>, %convert_element_type3A masked %reduce_sum3A_63 : vector<16xi32>, vector<16xi1> -> vector<16xi32>
    %reduce_sum3A_65 = vector.extract %reduce_sum3A_64[15] : i32 from vector<16xi32>
    %add3A_66 = arith.addi %while3A_43, %reduce_sum3A_65 : i32
    %mul3A_67 = arith.constant 16 : i32
    %mul3A_68 = arith.muli %select_n3A_30, %mul3A_67 : i32
    %add3A_69 = arith.constant 1 : i32
    %add3A_70 = arith.addi %mul3A_68, %add3A_69 : i32
    %mul3A_71 = arith.constant 16 : i32
    %mul3A_72 = arith.muli %add3A_70, %mul3A_71 : i32
    %get3A_73 = arith.index_cast %mul3A_72 : i32 to index
    %get3A_74 = tpu.vector_load %arg5[%get3A_73] {strides = array<i32>} : memref<2048xi32, #tpu.memory_space<vmem>>, vector<16xi32>,
    %ne3A_75 = arith.constant 1 : i32
    %ne3A_76 = vector.broadcast %ne3A_75 : i32 to vector<16xi32>
    %ne3A_77 = arith.cmpi ne, %get3A_74, %ne3A_76 : vector<16xi32>
    %convert_element_type3A_78 = arith.extui %ne3A_77 : vector<16xi1> to vector<16xi32>
    %cumsum3A_79 = arith.constant true
    %cumsum3A_80 = vector.broadcast %cumsum3A_79 : i1 to vector<16xi1>
    %cumsum3A_81 = tpu.scan <sum>, %convert_element_type3A_78 masked %cumsum3A_80 : vector<16xi32>, vector<16xi1> -> vector<16xi32>
    %add3A_82 = vector.broadcast %add3A_66 : i32 to vector<16xi32>
    %add3A_83 = arith.addi %cumsum3A_81, %add3A_82 : vector<16xi32>
    %mul3A_84 = arith.muli %add3A_83, %convert_element_type3A_78 : vector<16xi32>
    %add3A_85 = arith.constant 1 : i32
    %add3A_86 = vector.broadcast %add3A_85 : i32 to vector<16xi32>
    %add3A_87 = arith.addi %mul3A_84, %add3A_86 : vector<16xi32>
    %swap3A_88 = arith.constant 0 : index
    %swap3A_89 = tpu.vector_load %arg7[%swap3A_88] {strides = array<i32>} : memref<16xi32, #tpu.memory_space<vmem>>, vector<16xi32>,
    tpu.vector_store %arg7[%swap3A_88], %add3A_87 {strides = array<i32>} : memref<16xi32, #tpu.memory_space<vmem>>, vector<16xi32>,
    %reduce_sum3A_90 = arith.constant true
    %reduce_sum3A_91 = vector.broadcast %reduce_sum3A_90 : i1 to vector<16xi1>
    %reduce_sum3A_92 = tpu.scan <sum>, %convert_element_type3A_78 masked %reduce_sum3A_91 : vector<16xi32>, vector<16xi1> -> vector<16xi32>
    %reduce_sum3A_93 = vector.extract %reduce_sum3A_92[15] : i32 from vector<16xi32>
    %add3A_94 = arith.addi %add3A_66, %reduce_sum3A_93 : i32
    %mul3A_95 = arith.constant 16 : i32
    %mul3A_96 = arith.muli %select_n3A_30, %mul3A_95 : i32
    %add3A_97 = arith.constant 2 : i32
    %add3A_98 = arith.addi %mul3A_96, %add3A_97 : i32
    %mul3A_99 = arith.constant 16 : i32
    %mul3A_100 = arith.muli %add3A_98, %mul3A_99 : i32
    %get3A_101 = arith.index_cast %mul3A_100 : i32 to index
    %get3A_102 = tpu.vector_load %arg5[%get3A_101] {strides = array<i32>} : memref<2048xi32, #tpu.memory_space<vmem>>, vector<16xi32>,
    %ne3A_103 = arith.constant 1 : i32
    %ne3A_104 = vector.broadcast %ne3A_103 : i32 to vector<16xi32>
    %ne3A_105 = arith.cmpi ne, %get3A_102, %ne3A_104 : vector<16xi32>
    %convert_element_type3A_106 = arith.extui %ne3A_105 : vector<16xi1> to vector<16xi32>
    %cumsum3A_107 = arith.constant true
    %cumsum3A_108 = vector.broadcast %cumsum3A_107 : i1 to vector<16xi1>
    %cumsum3A_109 = tpu.scan <sum>, %convert_element_type3A_106 masked %cumsum3A_108 : vector<16xi32>, vector<16xi1> -> vector<16xi32>
    %add3A_110 = vector.broadcast %add3A_94 : i32 to vector<16xi32>
    %add3A_111 = arith.addi %cumsum3A_109, %add3A_110 : vector<16xi32>
    %mul3A_112 = arith.muli %add3A_111, %convert_element_type3A_106 : vector<16xi32>
    %add3A_113 = arith.constant 1 : i32
    %add3A_114 = vector.broadcast %add3A_113 : i32 to vector<16xi32>
    %add3A_115 = arith.addi %mul3A_112, %add3A_114 : vector<16xi32>
    %swap3A_116 = arith.constant 0 : index
    %swap3A_117 = tpu.vector_load %arg8[%swap3A_116] {strides = array<i32>} : memref<16xi32, #tpu.memory_space<vmem>>, vector<16xi32>,
    tpu.vector_store %arg8[%swap3A_116], %add3A_115 {strides = array<i32>} : memref<16xi32, #tpu.memory_space<vmem>>, vector<16xi32>,
    %reduce_sum3A_118 = arith.constant true
    %reduce_sum3A_119 = vector.broadcast %reduce_sum3A_118 : i1 to vector<16xi1>
    %reduce_sum3A_120 = tpu.scan <sum>, %convert_element_type3A_106 masked %reduce_sum3A_119 : vector<16xi32>, vector<16xi1> -> vector<16xi32>
    %reduce_sum3A_121 = vector.extract %reduce_sum3A_120[15] : i32 from vector<16xi32>
    %add3A_122 = arith.addi %add3A_94, %reduce_sum3A_121 : i32
    %mul3A_123 = arith.constant 16 : i32
    %mul3A_124 = arith.muli %select_n3A_30, %mul3A_123 : i32
    %add3A_125 = arith.constant 3 : i32
    %add3A_126 = arith.addi %mul3A_124, %add3A_125 : i32
    %mul3A_127 = arith.constant 16 : i32
    %mul3A_128 = arith.muli %add3A_126, %mul3A_127 : i32
    %get3A_129 = arith.index_cast %mul3A_128 : i32 to index
    %get3A_130 = tpu.vector_load %arg5[%get3A_129] {strides = array<i32>} : memref<2048xi32, #tpu.memory_space<vmem>>, vector<16xi32>,
    %ne3A_131 = arith.constant 1 : i32
    %ne3A_132 = vector.broadcast %ne3A_131 : i32 to vector<16xi32>
    %ne3A_133 = arith.cmpi ne, %get3A_130, %ne3A_132 : vector<16xi32>
    %convert_element_type3A_134 = arith.extui %ne3A_133 : vector<16xi1> to vector<16xi32>
    %cumsum3A_135 = arith.constant true
    %cumsum3A_136 = vector.broadcast %cumsum3A_135 : i1 to vector<16xi1>
    %cumsum3A_137 = tpu.scan <sum>, %convert_element_type3A_134 masked %cumsum3A_136 : vector<16xi32>, vector<16xi1> -> vector<16xi32>
    %add3A_138 = vector.broadcast %add3A_122 : i32 to vector<16xi32>
    %add3A_139 = arith.addi %cumsum3A_137, %add3A_138 : vector<16xi32>
    %mul3A_140 = arith.muli %add3A_139, %convert_element_type3A_134 : vector<16xi32>
    %add3A_141 = arith.constant 1 : i32
    %add3A_142 = vector.broadcast %add3A_141 : i32 to vector<16xi32>
    %add3A_143 = arith.addi %mul3A_140, %add3A_142 : vector<16xi32>
    %swap3A_144 = arith.constant 0 : index
    %swap3A_145 = tpu.vector_load %arg9[%swap3A_144] {strides = array<i32>} : memref<16xi32, #tpu.memory_space<vmem>>, vector<16xi32>,
    tpu.vector_store %arg9[%swap3A_144], %add3A_143 {strides = array<i32>} : memref<16xi32, #tpu.memory_space<vmem>>, vector<16xi32>,
    %reduce_sum3A_146 = arith.constant true
    %reduce_sum3A_147 = vector.broadcast %reduce_sum3A_146 : i1 to vector<16xi1>
    %reduce_sum3A_148 = tpu.scan <sum>, %convert_element_type3A_134 masked %reduce_sum3A_147 : vector<16xi32>, vector<16xi1> -> vector<16xi32>
    %reduce_sum3A_149 = vector.extract %reduce_sum3A_148[15] : i32 from vector<16xi32>
    %add3A_150 = arith.addi %add3A_122, %reduce_sum3A_149 : i32
    %mul3A_151 = arith.constant 16 : i32
    %mul3A_152 = arith.muli %select_n3A_30, %mul3A_151 : i32
    %add3A_153 = arith.constant 4 : i32
    %add3A_154 = arith.addi %mul3A_152, %add3A_153 : i32
    %mul3A_155 = arith.constant 16 : i32
    %mul3A_156 = arith.muli %add3A_154, %mul3A_155 : i32
    %get3A_157 = arith.index_cast %mul3A_156 : i32 to index
    %get3A_158 = tpu.vector_load %arg5[%get3A_157] {strides = array<i32>} : memref<2048xi32, #tpu.memory_space<vmem>>, vector<16xi32>,
    %ne3A_159 = arith.constant 1 : i32
    %ne3A_160 = vector.broadcast %ne3A_159 : i32 to vector<16xi32>
    %ne3A_161 = arith.cmpi ne, %get3A_158, %ne3A_160 : vector<16xi32>
    %convert_element_type3A_162 = arith.extui %ne3A_161 : vector<16xi1> to vector<16xi32>
    %cumsum3A_163 = arith.constant true
    %cumsum3A_164 = vector.broadcast %cumsum3A_163 : i1 to vector<16xi1>
    %cumsum3A_165 = tpu.scan <sum>, %convert_element_type3A_162 masked %cumsum3A_164 : vector<16xi32>, vector<16xi1> -> vector<16xi32>
    %add3A_166 = vector.broadcast %add3A_150 : i32 to vector<16xi32>
    %add3A_167 = arith.addi %cumsum3A_165, %add3A_166 : vector<16xi32>
    %mul3A_168 = arith.muli %add3A_167, %convert_element_type3A_162 : vector<16xi32>
    %add3A_169 = arith.constant 1 : i32
    %add3A_170 = vector.broadcast %add3A_169 : i32 to vector<16xi32>
    %add3A_171 = arith.addi %mul3A_168, %add3A_170 : vector<16xi32>
    %swap3A_172 = arith.constant 0 : index
    %swap3A_173 = tpu.vector_load %arg10[%swap3A_172] {strides = array<i32>} : memref<16xi32, #tpu.memory_space<vmem>>, vector<16xi32>,
    tpu.vector_store %arg10[%swap3A_172], %add3A_171 {strides = array<i32>} : memref<16xi32, #tpu.memory_space<vmem>>, vector<16xi32>,
    %reduce_sum3A_174 = arith.constant true
    %reduce_sum3A_175 = vector.broadcast %reduce_sum3A_174 : i1 to vector<16xi1>
    %reduce_sum3A_176 = tpu.scan <sum>, %convert_element_type3A_162 masked %reduce_sum3A_175 : vector<16xi32>, vector<16xi1> -> vector<16xi32>
    %reduce_sum3A_177 = vector.extract %reduce_sum3A_176[15] : i32 from vector<16xi32>
    %add3A_178 = arith.addi %add3A_150, %reduce_sum3A_177 : i32
    %mul3A_179 = arith.constant 16 : i32
    %mul3A_180 = arith.muli %select_n3A_30, %mul3A_179 : i32
    %add3A_181 = arith.constant 5 : i32
    %add3A_182 = arith.addi %mul3A_180, %add3A_181 : i32
    %mul3A_183 = arith.constant 16 : i32
    %mul3A_184 = arith.muli %add3A_182, %mul3A_183 : i32
    %get3A_185 = arith.index_cast %mul3A_184 : i32 to index
    %get3A_186 = tpu.vector_load %arg5[%get3A_185] {strides = array<i32>} : memref<2048xi32, #tpu.memory_space<vmem>>, vector<16xi32>,
    %ne3A_187 = arith.constant 1 : i32
    %ne3A_188 = vector.broadcast %ne3A_187 : i32 to vector<16xi32>
    %ne3A_189 = arith.cmpi ne, %get3A_186, %ne3A_188 : vector<16xi32>
    %convert_element_type3A_190 = arith.extui %ne3A_189 : vector<16xi1> to vector<16xi32>
    %cumsum3A_191 = arith.constant true
    %cumsum3A_192 = vector.broadcast %cumsum3A_191 : i1 to vector<16xi1>
    %cumsum3A_193 = tpu.scan <sum>, %convert_element_type3A_190 masked %cumsum3A_192 : vector<16xi32>, vector<16xi1> -> vector<16xi32>
    %add3A_194 = vector.broadcast %add3A_178 : i32 to vector<16xi32>
    %add3A_195 = arith.addi %cumsum3A_193, %add3A_194 : vector<16xi32>
    %mul3A_196 = arith.muli %add3A_195, %convert_element_type3A_190 : vector<16xi32>
    %add3A_197 = arith.constant 1 : i32
    %add3A_198 = vector.broadcast %add3A_197 : i32 to vector<16xi32>
    %add3A_199 = arith.addi %mul3A_196, %add3A_198 : vector<16xi32>
    %swap3A_200 = arith.constant 0 : index
    %swap3A_201 = tpu.vector_load %arg11[%swap3A_200] {strides = array<i32>} : memref<16xi32, #tpu.memory_space<vmem>>, vector<16xi32>,
    tpu.vector_store %arg11[%swap3A_200], %add3A_199 {strides = array<i32>} : memref<16xi32, #tpu.memory_space<vmem>>, vector<16xi32>,
    %reduce_sum3A_202 = arith.constant true
    %reduce_sum3A_203 = vector.broadcast %reduce_sum3A_202 : i1 to vector<16xi1>
    %reduce_sum3A_204 = tpu.scan <sum>, %convert_element_type3A_190 masked %reduce_sum3A_203 : vector<16xi32>, vector<16xi1> -> vector<16xi32>
    %reduce_sum3A_205 = vector.extract %reduce_sum3A_204[15] : i32 from vector<16xi32>
    %add3A_206 = arith.addi %add3A_178, %reduce_sum3A_205 : i32
    %mul3A_207 = arith.constant 16 : i32
    %mul3A_208 = arith.muli %select_n3A_30, %mul3A_207 : i32
    %add3A_209 = arith.constant 6 : i32
    %add3A_210 = arith.addi %mul3A_208, %add3A_209 : i32
    %mul3A_211 = arith.constant 16 : i32
    %mul3A_212 = arith.muli %add3A_210, %mul3A_211 : i32
    %get3A_213 = arith.index_cast %mul3A_212 : i32 to index
    %get3A_214 = tpu.vector_load %arg5[%get3A_213] {strides = array<i32>} : memref<2048xi32, #tpu.memory_space<vmem>>, vector<16xi32>,
    %ne3A_215 = arith.constant 1 : i32
    %ne3A_216 = vector.broadcast %ne3A_215 : i32 to vector<16xi32>
    %ne3A_217 = arith.cmpi ne, %get3A_214, %ne3A_216 : vector<16xi32>
    %convert_element_type3A_218 = arith.extui %ne3A_217 : vector<16xi1> to vector<16xi32>
    %cumsum3A_219 = arith.constant true
    %cumsum3A_220 = vector.broadcast %cumsum3A_219 : i1 to vector<16xi1>
    %cumsum3A_221 = tpu.scan <sum>, %convert_element_type3A_218 masked %cumsum3A_220 : vector<16xi32>, vector<16xi1> -> vector<16xi32>
    %add3A_222 = vector.broadcast %add3A_206 : i32 to vector<16xi32>
    %add3A_223 = arith.addi %cumsum3A_221, %add3A_222 : vector<16xi32>
    %mul3A_224 = arith.muli %add3A_223, %convert_element_type3A_218 : vector<16xi32>
    %add3A_225 = arith.constant 1 : i32
    %add3A_226 = vector.broadcast %add3A_225 : i32 to vector<16xi32>
    %add3A_227 = arith.addi %mul3A_224, %add3A_226 : vector<16xi32>
    %swap3A_228 = arith.constant 0 : index
    %swap3A_229 = tpu.vector_load %arg12[%swap3A_228] {strides = array<i32>} : memref<16xi32, #tpu.memory_space<vmem>>, vector<16xi32>,
    tpu.vector_store %arg12[%swap3A_228], %add3A_227 {strides = array<i32>} : memref<16xi32, #tpu.memory_space<vmem>>, vector<16xi32>,
    %reduce_sum3A_230 = arith.constant true
    %reduce_sum3A_231 = vector.broadcast %reduce_sum3A_230 : i1 to vector<16xi1>
    %reduce_sum3A_232 = tpu.scan <sum>, %convert_element_type3A_218 masked %reduce_sum3A_231 : vector<16xi32>, vector<16xi1> -> vector<16xi32>
    %reduce_sum3A_233 = vector.extract %reduce_sum3A_232[15] : i32 from vector<16xi32>
    %add3A_234 = arith.addi %add3A_206, %reduce_sum3A_233 : i32
    %mul3A_235 = arith.constant 16 : i32
    %mul3A_236 = arith.muli %select_n3A_30, %mul3A_235 : i32
    %add3A_237 = arith.constant 7 : i32
    %add3A_238 = arith.addi %mul3A_236, %add3A_237 : i32
    %mul3A_239 = arith.constant 16 : i32
    %mul3A_240 = arith.muli %add3A_238, %mul3A_239 : i32
    %get3A_241 = arith.index_cast %mul3A_240 : i32 to index
    %get3A_242 = tpu.vector_load %arg5[%get3A_241] {strides = array<i32>} : memref<2048xi32, #tpu.memory_space<vmem>>, vector<16xi32>,
    %ne3A_243 = arith.constant 1 : i32
    %ne3A_244 = vector.broadcast %ne3A_243 : i32 to vector<16xi32>
    %ne3A_245 = arith.cmpi ne, %get3A_242, %ne3A_244 : vector<16xi32>
    %convert_element_type3A_246 = arith.extui %ne3A_245 : vector<16xi1> to vector<16xi32>
    %cumsum3A_247 = arith.constant true
    %cumsum3A_248 = vector.broadcast %cumsum3A_247 : i1 to vector<16xi1>
    %cumsum3A_249 = tpu.scan <sum>, %convert_element_type3A_246 masked %cumsum3A_248 : vector<16xi32>, vector<16xi1> -> vector<16xi32>
    %add3A_250 = vector.broadcast %add3A_234 : i32 to vector<16xi32>
    %add3A_251 = arith.addi %cumsum3A_249, %add3A_250 : vector<16xi32>
    %mul3A_252 = arith.muli %add3A_251, %convert_element_type3A_246 : vector<16xi32>
    %add3A_253 = arith.constant 1 : i32
    %add3A_254 = vector.broadcast %add3A_253 : i32 to vector<16xi32>
    %add3A_255 = arith.addi %mul3A_252, %add3A_254 : vector<16xi32>
    %swap3A_256 = arith.constant 0 : index
    %swap3A_257 = tpu.vector_load %arg13[%swap3A_256] {strides = array<i32>} : memref<16xi32, #tpu.memory_space<vmem>>, vector<16xi32>,
    tpu.vector_store %arg13[%swap3A_256], %add3A_255 {strides = array<i32>} : memref<16xi32, #tpu.memory_space<vmem>>, vector<16xi32>,
    %reduce_sum3A_258 = arith.constant true
    %reduce_sum3A_259 = vector.broadcast %reduce_sum3A_258 : i1 to vector<16xi1>
    %reduce_sum3A_260 = tpu.scan <sum>, %convert_element_type3A_246 masked %reduce_sum3A_259 : vector<16xi32>, vector<16xi1> -> vector<16xi32>
    %reduce_sum3A_261 = vector.extract %reduce_sum3A_260[15] : i32 from vector<16xi32>
    %add3A_262 = arith.addi %add3A_234, %reduce_sum3A_261 : i32
    %mul3A_263 = arith.constant 16 : i32
    %mul3A_264 = arith.muli %select_n3A_30, %mul3A_263 : i32
    %add3A_265 = arith.constant 8 : i32
    %add3A_266 = arith.addi %mul3A_264, %add3A_265 : i32
    %mul3A_267 = arith.constant 16 : i32
    %mul3A_268 = arith.muli %add3A_266, %mul3A_267 : i32
    %get3A_269 = arith.index_cast %mul3A_268 : i32 to index
    %get3A_270 = tpu.vector_load %arg5[%get3A_269] {strides = array<i32>} : memref<2048xi32, #tpu.memory_space<vmem>>, vector<16xi32>,
    %ne3A_271 = arith.constant 1 : i32
    %ne3A_272 = vector.broadcast %ne3A_271 : i32 to vector<16xi32>
    %ne3A_273 = arith.cmpi ne, %get3A_270, %ne3A_272 : vector<16xi32>
    %convert_element_type3A_274 = arith.extui %ne3A_273 : vector<16xi1> to vector<16xi32>
    %cumsum3A_275 = arith.constant true
    %cumsum3A_276 = vector.broadcast %cumsum3A_275 : i1 to vector<16xi1>
    %cumsum3A_277 = tpu.scan <sum>, %convert_element_type3A_274 masked %cumsum3A_276 : vector<16xi32>, vector<16xi1> -> vector<16xi32>
    %add3A_278 = vector.broadcast %add3A_262 : i32 to vector<16xi32>
    %add3A_279 = arith.addi %cumsum3A_277, %add3A_278 : vector<16xi32>
    %mul3A_280 = arith.muli %add3A_279, %convert_element_type3A_274 : vector<16xi32>
    %add3A_281 = arith.constant 1 : i32
    %add3A_282 = vector.broadcast %add3A_281 : i32 to vector<16xi32>
    %add3A_283 = arith.addi %mul3A_280, %add3A_282 : vector<16xi32>
    %swap3A_284 = arith.constant 0 : index
    %swap3A_285 = tpu.vector_load %arg14[%swap3A_284] {strides = array<i32>} : memref<16xi32, #tpu.memory_space<vmem>>, vector<16xi32>,
    tpu.vector_store %arg14[%swap3A_284], %add3A_283 {strides = array<i32>} : memref<16xi32, #tpu.memory_space<vmem>>, vector<16xi32>,
    %reduce_sum3A_286 = arith.constant true
    %reduce_sum3A_287 = vector.broadcast %reduce_sum3A_286 : i1 to vector<16xi1>
    %reduce_sum3A_288 = tpu.scan <sum>, %convert_element_type3A_274 masked %reduce_sum3A_287 : vector<16xi32>, vector<16xi1> -> vector<16xi32>
    %reduce_sum3A_289 = vector.extract %reduce_sum3A_288[15] : i32 from vector<16xi32>
    %add3A_290 = arith.addi %add3A_262, %reduce_sum3A_289 : i32
    %mul3A_291 = arith.constant 16 : i32
    %mul3A_292 = arith.muli %select_n3A_30, %mul3A_291 : i32
    %add3A_293 = arith.constant 9 : i32
    %add3A_294 = arith.addi %mul3A_292, %add3A_293 : i32
    %mul3A_295 = arith.constant 16 : i32
    %mul3A_296 = arith.muli %add3A_294, %mul3A_295 : i32
    %get3A_297 = arith.index_cast %mul3A_296 : i32 to index
    %get3A_298 = tpu.vector_load %arg5[%get3A_297] {strides = array<i32>} : memref<2048xi32, #tpu.memory_space<vmem>>, vector<16xi32>,
    %ne3A_299 = arith.constant 1 : i32
    %ne3A_300 = vector.broadcast %ne3A_299 : i32 to vector<16xi32>
    %ne3A_301 = arith.cmpi ne, %get3A_298, %ne3A_300 : vector<16xi32>
    %convert_element_type3A_302 = arith.extui %ne3A_301 : vector<16xi1> to vector<16xi32>
    %cumsum3A_303 = arith.constant true
    %cumsum3A_304 = vector.broadcast %cumsum3A_303 : i1 to vector<16xi1>
    %cumsum3A_305 = tpu.scan <sum>, %convert_element_type3A_302 masked %cumsum3A_304 : vector<16xi32>, vector<16xi1> -> vector<16xi32>
    %add3A_306 = vector.broadcast %add3A_290 : i32 to vector<16xi32>
    %add3A_307 = arith.addi %cumsum3A_305, %add3A_306 : vector<16xi32>
    %mul3A_308 = arith.muli %add3A_307, %convert_element_type3A_302 : vector<16xi32>
    %add3A_309 = arith.constant 1 : i32
    %add3A_310 = vector.broadcast %add3A_309 : i32 to vector<16xi32>
    %add3A_311 = arith.addi %mul3A_308, %add3A_310 : vector<16xi32>
    %swap3A_312 = arith.constant 0 : index
    %swap3A_313 = tpu.vector_load %arg15[%swap3A_312] {strides = array<i32>} : memref<16xi32, #tpu.memory_space<vmem>>, vector<16xi32>,
    tpu.vector_store %arg15[%swap3A_312], %add3A_311 {strides = array<i32>} : memref<16xi32, #tpu.memory_space<vmem>>, vector<16xi32>,
    %reduce_sum3A_314 = arith.constant true
    %reduce_sum3A_315 = vector.broadcast %reduce_sum3A_314 : i1 to vector<16xi1>
    %reduce_sum3A_316 = tpu.scan <sum>, %convert_element_type3A_302 masked %reduce_sum3A_315 : vector<16xi32>, vector<16xi1> -> vector<16xi32>
    %reduce_sum3A_317 = vector.extract %reduce_sum3A_316[15] : i32 from vector<16xi32>
    %add3A_318 = arith.addi %add3A_290, %reduce_sum3A_317 : i32
    %mul3A_319 = arith.constant 16 : i32
    %mul3A_320 = arith.muli %select_n3A_30, %mul3A_319 : i32
    %add3A_321 = arith.constant 10 : i32
    %add3A_322 = arith.addi %mul3A_320, %add3A_321 : i32
    %mul3A_323 = arith.constant 16 : i32
    %mul3A_324 = arith.muli %add3A_322, %mul3A_323 : i32
    %get3A_325 = arith.index_cast %mul3A_324 : i32 to index
    %get3A_326 = tpu.vector_load %arg5[%get3A_325] {strides = array<i32>} : memref<2048xi32, #tpu.memory_space<vmem>>, vector<16xi32>,
    %ne3A_327 = arith.constant 1 : i32
    %ne3A_328 = vector.broadcast %ne3A_327 : i32 to vector<16xi32>
    %ne3A_329 = arith.cmpi ne, %get3A_326, %ne3A_328 : vector<16xi32>
    %convert_element_type3A_330 = arith.extui %ne3A_329 : vector<16xi1> to vector<16xi32>
    %cumsum3A_331 = arith.constant true
    %cumsum3A_332 = vector.broadcast %cumsum3A_331 : i1 to vector<16xi1>
    %cumsum3A_333 = tpu.scan <sum>, %convert_element_type3A_330 masked %cumsum3A_332 : vector<16xi32>, vector<16xi1> -> vector<16xi32>
    %add3A_334 = vector.broadcast %add3A_318 : i32 to vector<16xi32>
    %add3A_335 = arith.addi %cumsum3A_333, %add3A_334 : vector<16xi32>
    %mul3A_336 = arith.muli %add3A_335, %convert_element_type3A_330 : vector<16xi32>
    %add3A_337 = arith.constant 1 : i32
    %add3A_338 = vector.broadcast %add3A_337 : i32 to vector<16xi32>
    %add3A_339 = arith.addi %mul3A_336, %add3A_338 : vector<16xi32>
    %swap3A_340 = arith.constant 0 : index
    %swap3A_341 = tpu.vector_load %arg16[%swap3A_340] {strides = array<i32>} : memref<16xi32, #tpu.memory_space<vmem>>, vector<16xi32>,
    tpu.vector_store %arg16[%swap3A_340], %add3A_339 {strides = array<i32>} : memref<16xi32, #tpu.memory_space<vmem>>, vector<16xi32>,
    %reduce_sum3A_342 = arith.constant true
    %reduce_sum3A_343 = vector.broadcast %reduce_sum3A_342 : i1 to vector<16xi1>
    %reduce_sum3A_344 = tpu.scan <sum>, %convert_element_type3A_330 masked %reduce_sum3A_343 : vector<16xi32>, vector<16xi1> -> vector<16xi32>
    %reduce_sum3A_345 = vector.extract %reduce_sum3A_344[15] : i32 from vector<16xi32>
    %add3A_346 = arith.addi %add3A_318, %reduce_sum3A_345 : i32
    %mul3A_347 = arith.constant 16 : i32
    %mul3A_348 = arith.muli %select_n3A_30, %mul3A_347 : i32
    %add3A_349 = arith.constant 11 : i32
    %add3A_350 = arith.addi %mul3A_348, %add3A_349 : i32
    %mul3A_351 = arith.constant 16 : i32
    %mul3A_352 = arith.muli %add3A_350, %mul3A_351 : i32
    %get3A_353 = arith.index_cast %mul3A_352 : i32 to index
    %get3A_354 = tpu.vector_load %arg5[%get3A_353] {strides = array<i32>} : memref<2048xi32, #tpu.memory_space<vmem>>, vector<16xi32>,
    %ne3A_355 = arith.constant 1 : i32
    %ne3A_356 = vector.broadcast %ne3A_355 : i32 to vector<16xi32>
    %ne3A_357 = arith.cmpi ne, %get3A_354, %ne3A_356 : vector<16xi32>
    %convert_element_type3A_358 = arith.extui %ne3A_357 : vector<16xi1> to vector<16xi32>
    %cumsum3A_359 = arith.constant true
    %cumsum3A_360 = vector.broadcast %cumsum3A_359 : i1 to vector<16xi1>
    %cumsum3A_361 = tpu.scan <sum>, %convert_element_type3A_358 masked %cumsum3A_360 : vector<16xi32>, vector<16xi1> -> vector<16xi32>
    %add3A_362 = vector.broadcast %add3A_346 : i32 to vector<16xi32>
    %add3A_363 = arith.addi %cumsum3A_361, %add3A_362 : vector<16xi32>
    %mul3A_364 = arith.muli %add3A_363, %convert_element_type3A_358 : vector<16xi32>
    %add3A_365 = arith.constant 1 : i32
    %add3A_366 = vector.broadcast %add3A_365 : i32 to vector<16xi32>
    %add3A_367 = arith.addi %mul3A_364, %add3A_366 : vector<16xi32>
    %swap3A_368 = arith.constant 0 : index
    %swap3A_369 = tpu.vector_load %arg17[%swap3A_368] {strides = array<i32>} : memref<16xi32, #tpu.memory_space<vmem>>, vector<16xi32>,
    tpu.vector_store %arg17[%swap3A_368], %add3A_367 {strides = array<i32>} : memref<16xi32, #tpu.memory_space<vmem>>, vector<16xi32>,
    %reduce_sum3A_370 = arith.constant true
    %reduce_sum3A_371 = vector.broadcast %reduce_sum3A_370 : i1 to vector<16xi1>
    %reduce_sum3A_372 = tpu.scan <sum>, %convert_element_type3A_358 masked %reduce_sum3A_371 : vector<16xi32>, vector<16xi1> -> vector<16xi32>
    %reduce_sum3A_373 = vector.extract %reduce_sum3A_372[15] : i32 from vector<16xi32>
    %add3A_374 = arith.addi %add3A_346, %reduce_sum3A_373 : i32
    %mul3A_375 = arith.constant 16 : i32
    %mul3A_376 = arith.muli %select_n3A_30, %mul3A_375 : i32
    %add3A_377 = arith.constant 12 : i32
    %add3A_378 = arith.addi %mul3A_376, %add3A_377 : i32
    %mul3A_379 = arith.constant 16 : i32
    %mul3A_380 = arith.muli %add3A_378, %mul3A_379 : i32
    %get3A_381 = arith.index_cast %mul3A_380 : i32 to index
    %get3A_382 = tpu.vector_load %arg5[%get3A_381] {strides = array<i32>} : memref<2048xi32, #tpu.memory_space<vmem>>, vector<16xi32>,
    %ne3A_383 = arith.constant 1 : i32
    %ne3A_384 = vector.broadcast %ne3A_383 : i32 to vector<16xi32>
    %ne3A_385 = arith.cmpi ne, %get3A_382, %ne3A_384 : vector<16xi32>
    %convert_element_type3A_386 = arith.extui %ne3A_385 : vector<16xi1> to vector<16xi32>
    %cumsum3A_387 = arith.constant true
    %cumsum3A_388 = vector.broadcast %cumsum3A_387 : i1 to vector<16xi1>
    %cumsum3A_389 = tpu.scan <sum>, %convert_element_type3A_386 masked %cumsum3A_388 : vector<16xi32>, vector<16xi1> -> vector<16xi32>
    %add3A_390 = vector.broadcast %add3A_374 : i32 to vector<16xi32>
    %add3A_391 = arith.addi %cumsum3A_389, %add3A_390 : vector<16xi32>
    %mul3A_392 = arith.muli %add3A_391, %convert_element_type3A_386 : vector<16xi32>
    %add3A_393 = arith.constant 1 : i32
    %add3A_394 = vector.broadcast %add3A_393 : i32 to vector<16xi32>
    %add3A_395 = arith.addi %mul3A_392, %add3A_394 : vector<16xi32>
    %swap3A_396 = arith.constant 0 : index
    %swap3A_397 = tpu.vector_load %arg18[%swap3A_396] {strides = array<i32>} : memref<16xi32, #tpu.memory_space<vmem>>, vector<16xi32>,
    tpu.vector_store %arg18[%swap3A_396], %add3A_395 {strides = array<i32>} : memref<16xi32, #tpu.memory_space<vmem>>, vector<16xi32>,
    %reduce_sum3A_398 = arith.constant true
    %reduce_sum3A_399 = vector.broadcast %reduce_sum3A_398 : i1 to vector<16xi1>
    %reduce_sum3A_400 = tpu.scan <sum>, %convert_element_type3A_386 masked %reduce_sum3A_399 : vector<16xi32>, vector<16xi1> -> vector<16xi32>
    %reduce_sum3A_401 = vector.extract %reduce_sum3A_400[15] : i32 from vector<16xi32>
    %add3A_402 = arith.addi %add3A_374, %reduce_sum3A_401 : i32
    %mul3A_403 = arith.constant 16 : i32
    %mul3A_404 = arith.muli %select_n3A_30, %mul3A_403 : i32
    %add3A_405 = arith.constant 13 : i32
    %add3A_406 = arith.addi %mul3A_404, %add3A_405 : i32
    %mul3A_407 = arith.constant 16 : i32
    %mul3A_408 = arith.muli %add3A_406, %mul3A_407 : i32
    %get3A_409 = arith.index_cast %mul3A_408 : i32 to index
    %get3A_410 = tpu.vector_load %arg5[%get3A_409] {strides = array<i32>} : memref<2048xi32, #tpu.memory_space<vmem>>, vector<16xi32>,
    %ne3A_411 = arith.constant 1 : i32
    %ne3A_412 = vector.broadcast %ne3A_411 : i32 to vector<16xi32>
    %ne3A_413 = arith.cmpi ne, %get3A_410, %ne3A_412 : vector<16xi32>
    %convert_element_type3A_414 = arith.extui %ne3A_413 : vector<16xi1> to vector<16xi32>
    %cumsum3A_415 = arith.constant true
    %cumsum3A_416 = vector.broadcast %cumsum3A_415 : i1 to vector<16xi1>
    %cumsum3A_417 = tpu.scan <sum>, %convert_element_type3A_414 masked %cumsum3A_416 : vector<16xi32>, vector<16xi1> -> vector<16xi32>
    %add3A_418 = vector.broadcast %add3A_402 : i32 to vector<16xi32>
    %add3A_419 = arith.addi %cumsum3A_417, %add3A_418 : vector<16xi32>
    %mul3A_420 = arith.muli %add3A_419, %convert_element_type3A_414 : vector<16xi32>
    %add3A_421 = arith.constant 1 : i32
    %add3A_422 = vector.broadcast %add3A_421 : i32 to vector<16xi32>
    %add3A_423 = arith.addi %mul3A_420, %add3A_422 : vector<16xi32>
    %swap3A_424 = arith.constant 0 : index
    %swap3A_425 = tpu.vector_load %arg19[%swap3A_424] {strides = array<i32>} : memref<16xi32, #tpu.memory_space<vmem>>, vector<16xi32>,
    tpu.vector_store %arg19[%swap3A_424], %add3A_423 {strides = array<i32>} : memref<16xi32, #tpu.memory_space<vmem>>, vector<16xi32>,
    %reduce_sum3A_426 = arith.constant true
    %reduce_sum3A_427 = vector.broadcast %reduce_sum3A_426 : i1 to vector<16xi1>
    %reduce_sum3A_428 = tpu.scan <sum>, %convert_element_type3A_414 masked %reduce_sum3A_427 : vector<16xi32>, vector<16xi1> -> vector<16xi32>
    %reduce_sum3A_429 = vector.extract %reduce_sum3A_428[15] : i32 from vector<16xi32>
    %add3A_430 = arith.addi %add3A_402, %reduce_sum3A_429 : i32
    %mul3A_431 = arith.constant 16 : i32
    %mul3A_432 = arith.muli %select_n3A_30, %mul3A_431 : i32
    %add3A_433 = arith.constant 14 : i32
    %add3A_434 = arith.addi %mul3A_432, %add3A_433 : i32
    %mul3A_435 = arith.constant 16 : i32
    %mul3A_436 = arith.muli %add3A_434, %mul3A_435 : i32
    %get3A_437 = arith.index_cast %mul3A_436 : i32 to index
    %get3A_438 = tpu.vector_load %arg5[%get3A_437] {strides = array<i32>} : memref<2048xi32, #tpu.memory_space<vmem>>, vector<16xi32>,
    %ne3A_439 = arith.constant 1 : i32
    %ne3A_440 = vector.broadcast %ne3A_439 : i32 to vector<16xi32>
    %ne3A_441 = arith.cmpi ne, %get3A_438, %ne3A_440 : vector<16xi32>
    %convert_element_type3A_442 = arith.extui %ne3A_441 : vector<16xi1> to vector<16xi32>
    %cumsum3A_443 = arith.constant true
    %cumsum3A_444 = vector.broadcast %cumsum3A_443 : i1 to vector<16xi1>
    %cumsum3A_445 = tpu.scan <sum>, %convert_element_type3A_442 masked %cumsum3A_444 : vector<16xi32>, vector<16xi1> -> vector<16xi32>
    %add3A_446 = vector.broadcast %add3A_430 : i32 to vector<16xi32>
    %add3A_447 = arith.addi %cumsum3A_445, %add3A_446 : vector<16xi32>
    %mul3A_448 = arith.muli %add3A_447, %convert_element_type3A_442 : vector<16xi32>
    %add3A_449 = arith.constant 1 : i32
    %add3A_450 = vector.broadcast %add3A_449 : i32 to vector<16xi32>
    %add3A_451 = arith.addi %mul3A_448, %add3A_450 : vector<16xi32>
    %swap3A_452 = arith.constant 0 : index
    %swap3A_453 = tpu.vector_load %arg20[%swap3A_452] {strides = array<i32>} : memref<16xi32, #tpu.memory_space<vmem>>, vector<16xi32>,
    tpu.vector_store %arg20[%swap3A_452], %add3A_451 {strides = array<i32>} : memref<16xi32, #tpu.memory_space<vmem>>, vector<16xi32>,
    %reduce_sum3A_454 = arith.constant true
    %reduce_sum3A_455 = vector.broadcast %reduce_sum3A_454 : i1 to vector<16xi1>
    %reduce_sum3A_456 = tpu.scan <sum>, %convert_element_type3A_442 masked %reduce_sum3A_455 : vector<16xi32>, vector<16xi1> -> vector<16xi32>
    %reduce_sum3A_457 = vector.extract %reduce_sum3A_456[15] : i32 from vector<16xi32>
    %add3A_458 = arith.addi %add3A_430, %reduce_sum3A_457 : i32
    %mul3A_459 = arith.constant 16 : i32
    %mul3A_460 = arith.muli %select_n3A_30, %mul3A_459 : i32
    %add3A_461 = arith.constant 15 : i32
    %add3A_462 = arith.addi %mul3A_460, %add3A_461 : i32
    %mul3A_463 = arith.constant 16 : i32
    %mul3A_464 = arith.muli %add3A_462, %mul3A_463 : i32
    %get3A_465 = arith.index_cast %mul3A_464 : i32 to index
    %get3A_466 = tpu.vector_load %arg5[%get3A_465] {strides = array<i32>} : memref<2048xi32, #tpu.memory_space<vmem>>, vector<16xi32>,
    %ne3A_467 = arith.constant 1 : i32
    %ne3A_468 = vector.broadcast %ne3A_467 : i32 to vector<16xi32>
    %ne3A_469 = arith.cmpi ne, %get3A_466, %ne3A_468 : vector<16xi32>
    %convert_element_type3A_470 = arith.extui %ne3A_469 : vector<16xi1> to vector<16xi32>
    %cumsum3A_471 = arith.constant true
    %cumsum3A_472 = vector.broadcast %cumsum3A_471 : i1 to vector<16xi1>
    %cumsum3A_473 = tpu.scan <sum>, %convert_element_type3A_470 masked %cumsum3A_472 : vector<16xi32>, vector<16xi1> -> vector<16xi32>
    %add3A_474 = vector.broadcast %add3A_458 : i32 to vector<16xi32>
    %add3A_475 = arith.addi %cumsum3A_473, %add3A_474 : vector<16xi32>
    %mul3A_476 = arith.muli %add3A_475, %convert_element_type3A_470 : vector<16xi32>
    %add3A_477 = arith.constant 1 : i32
    %add3A_478 = vector.broadcast %add3A_477 : i32 to vector<16xi32>
    %add3A_479 = arith.addi %mul3A_476, %add3A_478 : vector<16xi32>
    %swap3A_480 = arith.constant 0 : index
    %swap3A_481 = tpu.vector_load %arg21[%swap3A_480] {strides = array<i32>} : memref<16xi32, #tpu.memory_space<vmem>>, vector<16xi32>,
    tpu.vector_store %arg21[%swap3A_480], %add3A_479 {strides = array<i32>} : memref<16xi32, #tpu.memory_space<vmem>>, vector<16xi32>,
    %reduce_sum3A_482 = arith.constant true
    %reduce_sum3A_483 = vector.broadcast %reduce_sum3A_482 : i1 to vector<16xi1>
    %reduce_sum3A_484 = tpu.scan <sum>, %convert_element_type3A_470 masked %reduce_sum3A_483 : vector<16xi32>, vector<16xi1> -> vector<16xi32>
    %reduce_sum3A_485 = vector.extract %reduce_sum3A_484[15] : i32 from vector<16xi32>
    %add3A_486 = arith.addi %add3A_458, %reduce_sum3A_485 : i32
    %mul3A_487 = arith.constant 256 : i32
    %mul3A_488 = arith.muli %add3A, %mul3A_487 : i32
    %dma_start3A = arith.constant 0 : i32
    %dma_start3A_489 = arith.constant 0 : i32
    %dma_start3A_490 = tpu.memref_slice %arg3[%dma_start3A, %dma_start3A_489] : memref<2050x1024xf32, #tpu.memory_space<hbm>> -> memref<2050x1024xf32, #tpu.memory_space<hbm>>
    tpu.enqueue_indirect_dma source(%dma_start3A_490 : memref<2050x1024xf32, #tpu.memory_space<hbm>>) target(%arg22 : memref<16x1024xf32, #tpu.memory_space<vmem>>) offsets(%arg6 : memref<16xi32, #tpu.memory_space<vmem>>) semaphore(%arg28 : memref<!tpu.dma_semaphore, #tpu.memory_space<semaphore_mem>>)
    %dma_start3A_491 = arith.constant 0 : i32
    %dma_start3A_492 = arith.constant 0 : i32
    %dma_start3A_493 = tpu.memref_slice %arg3[%dma_start3A_491, %dma_start3A_492] : memref<2050x1024xf32, #tpu.memory_space<hbm>> -> memref<2050x1024xf32, #tpu.memory_space<hbm>>
    tpu.enqueue_indirect_dma source(%dma_start3A_493 : memref<2050x1024xf32, #tpu.memory_space<hbm>>) target(%arg23 : memref<16x1024xf32, #tpu.memory_space<vmem>>) offsets(%arg7 : memref<16xi32, #tpu.memory_space<vmem>>) semaphore(%arg29 : memref<!tpu.dma_semaphore, #tpu.memory_space<semaphore_mem>>)
    %dma_start3A_494 = arith.constant 0 : i32
    %dma_start3A_495 = arith.constant 0 : i32
    %dma_start3A_496 = tpu.memref_slice %arg3[%dma_start3A_494, %dma_start3A_495] : memref<2050x1024xf32, #tpu.memory_space<hbm>> -> memref<2050x1024xf32, #tpu.memory_space<hbm>>
    tpu.enqueue_indirect_dma source(%dma_start3A_496 : memref<2050x1024xf32, #tpu.memory_space<hbm>>) target(%arg24 : memref<16x1024xf32, #tpu.memory_space<vmem>>) offsets(%arg8 : memref<16xi32, #tpu.memory_space<vmem>>) semaphore(%arg30 : memref<!tpu.dma_semaphore, #tpu.memory_space<semaphore_mem>>)
    %dma_start3A_497 = arith.constant 0 : i32
    %dma_start3A_498 = arith.constant 0 : i32
    %dma_start3A_499 = tpu.memref_slice %arg3[%dma_start3A_497, %dma_start3A_498] : memref<2050x1024xf32, #tpu.memory_space<hbm>> -> memref<2050x1024xf32, #tpu.memory_space<hbm>>
    tpu.enqueue_indirect_dma source(%dma_start3A_499 : memref<2050x1024xf32, #tpu.memory_space<hbm>>) target(%arg25 : memref<16x1024xf32, #tpu.memory_space<vmem>>) offsets(%arg9 : memref<16xi32, #tpu.memory_space<vmem>>) semaphore(%arg31 : memref<!tpu.dma_semaphore, #tpu.memory_space<semaphore_mem>>)
    %dma_start3A_500 = arith.constant 0 : i32
    %dma_start3A_501 = arith.constant 0 : i32
    %dma_start3A_502 = tpu.memref_slice %arg3[%dma_start3A_500, %dma_start3A_501] : memref<2050x1024xf32, #tpu.memory_space<hbm>> -> memref<2050x1024xf32, #tpu.memory_space<hbm>>
    tpu.enqueue_indirect_dma source(%dma_start3A_502 : memref<2050x1024xf32, #tpu.memory_space<hbm>>) target(%arg26 : memref<16x1024xf32, #tpu.memory_space<vmem>>) offsets(%arg10 : memref<16xi32, #tpu.memory_space<vmem>>) semaphore(%arg32 : memref<!tpu.dma_semaphore, #tpu.memory_space<semaphore_mem>>)
    %dma_start3A_503 = arith.constant 0 : i32
    %dma_start3A_504 = arith.constant 0 : i32
    %dma_start3A_505 = tpu.memref_slice %arg3[%dma_start3A_503, %dma_start3A_504] : memref<2050x1024xf32, #tpu.memory_space<hbm>> -> memref<2050x1024xf32, #tpu.memory_space<hbm>>
    tpu.enqueue_indirect_dma source(%dma_start3A_505 : memref<2050x1024xf32, #tpu.memory_space<hbm>>) target(%arg27 : memref<16x1024xf32, #tpu.memory_space<vmem>>) offsets(%arg11 : memref<16xi32, #tpu.memory_space<vmem>>) semaphore(%arg33 : memref<!tpu.dma_semaphore, #tpu.memory_space<semaphore_mem>>)
    %dma_wait3A = arith.constant 0 : i32
    %dma_wait3A_506 = arith.constant 0 : i32
    %dma_wait3A_507 = tpu.memref_slice %arg3[%dma_wait3A, %dma_wait3A_506] : memref<2050x1024xf32, #tpu.memory_space<hbm>> -> memref<2050x1024xf32, #tpu.memory_space<hbm>>
    tpu.wait_indirect_dma semaphore(%arg28 : memref<!tpu.dma_semaphore, #tpu.memory_space<semaphore_mem>>) src(%dma_wait3A_507 : memref<2050x1024xf32, #tpu.memory_space<hbm>>) dst(%arg22 : memref<16x1024xf32, #tpu.memory_space<vmem>>)
    %add3A_508 = arith.constant 0 : i32
    %add3A_509 = arith.addi %mul3A_488, %add3A_508 : i32
    %dma_start3A_510 = arith.constant 0 : i32
    %dma_start3A_511 = tpu.memref_slice %arg4[%add3A_509, %dma_start3A_510] : memref<8192x1024xf32, #tpu.memory_space<hbm>> -> memref<16x1024xf32, #tpu.memory_space<hbm>>
    %dma_start3A_512 = arith.constant 0 : i32
    %dma_start3A_513 = tpu.memref_slice %arg4[%add3A_509, %dma_start3A_512] : memref<8192x1024xf32, #tpu.memory_space<hbm>> -> memref<16x1024xf32, #tpu.memory_space<hbm>>
    tpu.enqueue_dma source(%arg22 : memref<16x1024xf32, #tpu.memory_space<vmem>>) target(%dma_start3A_513 : memref<16x1024xf32, #tpu.memory_space<hbm>>) target_semaphore(%arg34 : memref<!tpu.dma_semaphore, #tpu.memory_space<semaphore_mem>>)
    %dma_wait3A_514 = arith.constant 0 : i32
    %dma_wait3A_515 = tpu.memref_slice %arg4[%add3A_509, %dma_wait3A_514] : memref<8192x1024xf32, #tpu.memory_space<hbm>> -> memref<16x1024xf32, #tpu.memory_space<hbm>>
    %dma_wait3A_516 = arith.constant 0 : i32
    %dma_wait3A_517 = tpu.memref_slice %arg4[%add3A_509, %dma_wait3A_516] : memref<8192x1024xf32, #tpu.memory_space<hbm>> -> memref<16x1024xf32, #tpu.memory_space<hbm>>
    tpu.wait_dma2 semaphore(%arg34 : memref<!tpu.dma_semaphore, #tpu.memory_space<semaphore_mem>>) src(%arg22 : memref<16x1024xf32, #tpu.memory_space<vmem>>) dst(%dma_wait3A_517 : memref<16x1024xf32, #tpu.memory_space<hbm>>)
    %dma_start3A_518 = arith.constant 0 : i32
    %dma_start3A_519 = arith.constant 0 : i32
    %dma_start3A_520 = tpu.memref_slice %arg3[%dma_start3A_518, %dma_start3A_519] : memref<2050x1024xf32, #tpu.memory_space<hbm>> -> memref<2050x1024xf32, #tpu.memory_space<hbm>>
    tpu.enqueue_indirect_dma source(%dma_start3A_520 : memref<2050x1024xf32, #tpu.memory_space<hbm>>) target(%arg22 : memref<16x1024xf32, #tpu.memory_space<vmem>>) offsets(%arg12 : memref<16xi32, #tpu.memory_space<vmem>>) semaphore(%arg28 : memref<!tpu.dma_semaphore, #tpu.memory_space<semaphore_mem>>)
    %dma_wait3A_521 = arith.constant 0 : i32
    %dma_wait3A_522 = arith.constant 0 : i32
    %dma_wait3A_523 = tpu.memref_slice %arg3[%dma_wait3A_521, %dma_wait3A_522] : memref<2050x1024xf32, #tpu.memory_space<hbm>> -> memref<2050x1024xf32, #tpu.memory_space<hbm>>
    tpu.wait_indirect_dma semaphore(%arg29 : memref<!tpu.dma_semaphore, #tpu.memory_space<semaphore_mem>>) src(%dma_wait3A_523 : memref<2050x1024xf32, #tpu.memory_space<hbm>>) dst(%arg23 : memref<16x1024xf32, #tpu.memory_space<vmem>>)
    %add3A_524 = arith.constant 16 : i32
    %add3A_525 = arith.addi %mul3A_488, %add3A_524 : i32
    %dma_start3A_526 = arith.constant 0 : i32
    %dma_start3A_527 = tpu.memref_slice %arg4[%add3A_525, %dma_start3A_526] : memref<8192x1024xf32, #tpu.memory_space<hbm>> -> memref<16x1024xf32, #tpu.memory_space<hbm>>
    %dma_start3A_528 = arith.constant 0 : i32
    %dma_start3A_529 = tpu.memref_slice %arg4[%add3A_525, %dma_start3A_528] : memref<8192x1024xf32, #tpu.memory_space<hbm>> -> memref<16x1024xf32, #tpu.memory_space<hbm>>
    tpu.enqueue_dma source(%arg23 : memref<16x1024xf32, #tpu.memory_space<vmem>>) target(%dma_start3A_529 : memref<16x1024xf32, #tpu.memory_space<hbm>>) target_semaphore(%arg35 : memref<!tpu.dma_semaphore, #tpu.memory_space<semaphore_mem>>)
    %dma_wait3A_530 = arith.constant 0 : i32
    %dma_wait3A_531 = tpu.memref_slice %arg4[%add3A_525, %dma_wait3A_530] : memref<8192x1024xf32, #tpu.memory_space<hbm>> -> memref<16x1024xf32, #tpu.memory_space<hbm>>
    %dma_wait3A_532 = arith.constant 0 : i32
    %dma_wait3A_533 = tpu.memref_slice %arg4[%add3A_525, %dma_wait3A_532] : memref<8192x1024xf32, #tpu.memory_space<hbm>> -> memref<16x1024xf32, #tpu.memory_space<hbm>>
    tpu.wait_dma2 semaphore(%arg35 : memref<!tpu.dma_semaphore, #tpu.memory_space<semaphore_mem>>) src(%arg23 : memref<16x1024xf32, #tpu.memory_space<vmem>>) dst(%dma_wait3A_533 : memref<16x1024xf32, #tpu.memory_space<hbm>>)
    %dma_start3A_534 = arith.constant 0 : i32
    %dma_start3A_535 = arith.constant 0 : i32
    %dma_start3A_536 = tpu.memref_slice %arg3[%dma_start3A_534, %dma_start3A_535] : memref<2050x1024xf32, #tpu.memory_space<hbm>> -> memref<2050x1024xf32, #tpu.memory_space<hbm>>
    tpu.enqueue_indirect_dma source(%dma_start3A_536 : memref<2050x1024xf32, #tpu.memory_space<hbm>>) target(%arg23 : memref<16x1024xf32, #tpu.memory_space<vmem>>) offsets(%arg13 : memref<16xi32, #tpu.memory_space<vmem>>) semaphore(%arg29 : memref<!tpu.dma_semaphore, #tpu.memory_space<semaphore_mem>>)
    %dma_wait3A_537 = arith.constant 0 : i32
    %dma_wait3A_538 = arith.constant 0 : i32
    %dma_wait3A_539 = tpu.memref_slice %arg3[%dma_wait3A_537, %dma_wait3A_538] : memref<2050x1024xf32, #tpu.memory_space<hbm>> -> memref<2050x1024xf32, #tpu.memory_space<hbm>>
    tpu.wait_indirect_dma semaphore(%arg30 : memref<!tpu.dma_semaphore, #tpu.memory_space<semaphore_mem>>) src(%dma_wait3A_539 : memref<2050x1024xf32, #tpu.memory_space<hbm>>) dst(%arg24 : memref<16x1024xf32, #tpu.memory_space<vmem>>)
    %add3A_540 = arith.constant 32 : i32
    %add3A_541 = arith.addi %mul3A_488, %add3A_540 : i32
    %dma_start3A_542 = arith.constant 0 : i32
    %dma_start3A_543 = tpu.memref_slice %arg4[%add3A_541, %dma_start3A_542] : memref<8192x1024xf32, #tpu.memory_space<hbm>> -> memref<16x1024xf32, #tpu.memory_space<hbm>>
    %dma_start3A_544 = arith.constant 0 : i32
    %dma_start3A_545 = tpu.memref_slice %arg4[%add3A_541, %dma_start3A_544] : memref<8192x1024xf32, #tpu.memory_space<hbm>> -> memref<16x1024xf32, #tpu.memory_space<hbm>>
    tpu.enqueue_dma source(%arg24 : memref<16x1024xf32, #tpu.memory_space<vmem>>) target(%dma_start3A_545 : memref<16x1024xf32, #tpu.memory_space<hbm>>) target_semaphore(%arg36 : memref<!tpu.dma_semaphore, #tpu.memory_space<semaphore_mem>>)
    %dma_wait3A_546 = arith.constant 0 : i32
    %dma_wait3A_547 = tpu.memref_slice %arg4[%add3A_541, %dma_wait3A_546] : memref<8192x1024xf32, #tpu.memory_space<hbm>> -> memref<16x1024xf32, #tpu.memory_space<hbm>>
    %dma_wait3A_548 = arith.constant 0 : i32
    %dma_wait3A_549 = tpu.memref_slice %arg4[%add3A_541, %dma_wait3A_548] : memref<8192x1024xf32, #tpu.memory_space<hbm>> -> memref<16x1024xf32, #tpu.memory_space<hbm>>
    tpu.wait_dma2 semaphore(%arg36 : memref<!tpu.dma_semaphore, #tpu.memory_space<semaphore_mem>>) src(%arg24 : memref<16x1024xf32, #tpu.memory_space<vmem>>) dst(%dma_wait3A_549 : memref<16x1024xf32, #tpu.memory_space<hbm>>)
    %dma_start3A_550 = arith.constant 0 : i32
    %dma_start3A_551 = arith.constant 0 : i32
    %dma_start3A_552 = tpu.memref_slice %arg3[%dma_start3A_550, %dma_start3A_551] : memref<2050x1024xf32, #tpu.memory_space<hbm>> -> memref<2050x1024xf32, #tpu.memory_space<hbm>>
    tpu.enqueue_indirect_dma source(%dma_start3A_552 : memref<2050x1024xf32, #tpu.memory_space<hbm>>) target(%arg24 : memref<16x1024xf32, #tpu.memory_space<vmem>>) offsets(%arg14 : memref<16xi32, #tpu.memory_space<vmem>>) semaphore(%arg30 : memref<!tpu.dma_semaphore, #tpu.memory_space<semaphore_mem>>)
    %dma_wait3A_553 = arith.constant 0 : i32
    %dma_wait3A_554 = arith.constant 0 : i32
    %dma_wait3A_555 = tpu.memref_slice %arg3[%dma_wait3A_553, %dma_wait3A_554] : memref<2050x1024xf32, #tpu.memory_space<hbm>> -> memref<2050x1024xf32, #tpu.memory_space<hbm>>
    tpu.wait_indirect_dma semaphore(%arg31 : memref<!tpu.dma_semaphore, #tpu.memory_space<semaphore_mem>>) src(%dma_wait3A_555 : memref<2050x1024xf32, #tpu.memory_space<hbm>>) dst(%arg25 : memref<16x1024xf32, #tpu.memory_space<vmem>>)
    %add3A_556 = arith.constant 48 : i32
    %add3A_557 = arith.addi %mul3A_488, %add3A_556 : i32
    %dma_start3A_558 = arith.constant 0 : i32
    %dma_start3A_559 = tpu.memref_slice %arg4[%add3A_557, %dma_start3A_558] : memref<8192x1024xf32, #tpu.memory_space<hbm>> -> memref<16x1024xf32, #tpu.memory_space<hbm>>
    %dma_start3A_560 = arith.constant 0 : i32
    %dma_start3A_561 = tpu.memref_slice %arg4[%add3A_557, %dma_start3A_560] : memref<8192x1024xf32, #tpu.memory_space<hbm>> -> memref<16x1024xf32, #tpu.memory_space<hbm>>
    tpu.enqueue_dma source(%arg25 : memref<16x1024xf32, #tpu.memory_space<vmem>>) target(%dma_start3A_561 : memref<16x1024xf32, #tpu.memory_space<hbm>>) target_semaphore(%arg37 : memref<!tpu.dma_semaphore, #tpu.memory_space<semaphore_mem>>)
    %dma_wait3A_562 = arith.constant 0 : i32
    %dma_wait3A_563 = tpu.memref_slice %arg4[%add3A_557, %dma_wait3A_562] : memref<8192x1024xf32, #tpu.memory_space<hbm>> -> memref<16x1024xf32, #tpu.memory_space<hbm>>
    %dma_wait3A_564 = arith.constant 0 : i32
    %dma_wait3A_565 = tpu.memref_slice %arg4[%add3A_557, %dma_wait3A_564] : memref<8192x1024xf32, #tpu.memory_space<hbm>> -> memref<16x1024xf32, #tpu.memory_space<hbm>>
    tpu.wait_dma2 semaphore(%arg37 : memref<!tpu.dma_semaphore, #tpu.memory_space<semaphore_mem>>) src(%arg25 : memref<16x1024xf32, #tpu.memory_space<vmem>>) dst(%dma_wait3A_565 : memref<16x1024xf32, #tpu.memory_space<hbm>>)
    %dma_start3A_566 = arith.constant 0 : i32
    %dma_start3A_567 = arith.constant 0 : i32
    %dma_start3A_568 = tpu.memref_slice %arg3[%dma_start3A_566, %dma_start3A_567] : memref<2050x1024xf32, #tpu.memory_space<hbm>> -> memref<2050x1024xf32, #tpu.memory_space<hbm>>
    tpu.enqueue_indirect_dma source(%dma_start3A_568 : memref<2050x1024xf32, #tpu.memory_space<hbm>>) target(%arg25 : memref<16x1024xf32, #tpu.memory_space<vmem>>) offsets(%arg15 : memref<16xi32, #tpu.memory_space<vmem>>) semaphore(%arg31 : memref<!tpu.dma_semaphore, #tpu.memory_space<semaphore_mem>>)
    %dma_wait3A_569 = arith.constant 0 : i32
    %dma_wait3A_570 = arith.constant 0 : i32
    %dma_wait3A_571 = tpu.memref_slice %arg3[%dma_wait3A_569, %dma_wait3A_570] : memref<2050x1024xf32, #tpu.memory_space<hbm>> -> memref<2050x1024xf32, #tpu.memory_space<hbm>>
    tpu.wait_indirect_dma semaphore(%arg32 : memref<!tpu.dma_semaphore, #tpu.memory_space<semaphore_mem>>) src(%dma_wait3A_571 : memref<2050x1024xf32, #tpu.memory_space<hbm>>) dst(%arg26 : memref<16x1024xf32, #tpu.memory_space<vmem>>)
    %add3A_572 = arith.constant 64 : i32
    %add3A_573 = arith.addi %mul3A_488, %add3A_572 : i32
    %dma_start3A_574 = arith.constant 0 : i32
    %dma_start3A_575 = tpu.memref_slice %arg4[%add3A_573, %dma_start3A_574] : memref<8192x1024xf32, #tpu.memory_space<hbm>> -> memref<16x1024xf32, #tpu.memory_space<hbm>>
    %dma_start3A_576 = arith.constant 0 : i32
    %dma_start3A_577 = tpu.memref_slice %arg4[%add3A_573, %dma_start3A_576] : memref<8192x1024xf32, #tpu.memory_space<hbm>> -> memref<16x1024xf32, #tpu.memory_space<hbm>>
    tpu.enqueue_dma source(%arg26 : memref<16x1024xf32, #tpu.memory_space<vmem>>) target(%dma_start3A_577 : memref<16x1024xf32, #tpu.memory_space<hbm>>) target_semaphore(%arg38 : memref<!tpu.dma_semaphore, #tpu.memory_space<semaphore_mem>>)
    %dma_wait3A_578 = arith.constant 0 : i32
    %dma_wait3A_579 = tpu.memref_slice %arg4[%add3A_573, %dma_wait3A_578] : memref<8192x1024xf32, #tpu.memory_space<hbm>> -> memref<16x1024xf32, #tpu.memory_space<hbm>>
    %dma_wait3A_580 = arith.constant 0 : i32
    %dma_wait3A_581 = tpu.memref_slice %arg4[%add3A_573, %dma_wait3A_580] : memref<8192x1024xf32, #tpu.memory_space<hbm>> -> memref<16x1024xf32, #tpu.memory_space<hbm>>
    tpu.wait_dma2 semaphore(%arg38 : memref<!tpu.dma_semaphore, #tpu.memory_space<semaphore_mem>>) src(%arg26 : memref<16x1024xf32, #tpu.memory_space<vmem>>) dst(%dma_wait3A_581 : memref<16x1024xf32, #tpu.memory_space<hbm>>)
    %dma_start3A_582 = arith.constant 0 : i32
    %dma_start3A_583 = arith.constant 0 : i32
    %dma_start3A_584 = tpu.memref_slice %arg3[%dma_start3A_582, %dma_start3A_583] : memref<2050x1024xf32, #tpu.memory_space<hbm>> -> memref<2050x1024xf32, #tpu.memory_space<hbm>>
    tpu.enqueue_indirect_dma source(%dma_start3A_584 : memref<2050x1024xf32, #tpu.memory_space<hbm>>) target(%arg26 : memref<16x1024xf32, #tpu.memory_space<vmem>>) offsets(%arg16 : memref<16xi32, #tpu.memory_space<vmem>>) semaphore(%arg32 : memref<!tpu.dma_semaphore, #tpu.memory_space<semaphore_mem>>)
    %dma_wait3A_585 = arith.constant 0 : i32
    %dma_wait3A_586 = arith.constant 0 : i32
    %dma_wait3A_587 = tpu.memref_slice %arg3[%dma_wait3A_585, %dma_wait3A_586] : memref<2050x1024xf32, #tpu.memory_space<hbm>> -> memref<2050x1024xf32, #tpu.memory_space<hbm>>
    tpu.wait_indirect_dma semaphore(%arg33 : memref<!tpu.dma_semaphore, #tpu.memory_space<semaphore_mem>>) src(%dma_wait3A_587 : memref<2050x1024xf32, #tpu.memory_space<hbm>>) dst(%arg27 : memref<16x1024xf32, #tpu.memory_space<vmem>>)
    %add3A_588 = arith.constant 80 : i32
    %add3A_589 = arith.addi %mul3A_488, %add3A_588 : i32
    %dma_start3A_590 = arith.constant 0 : i32
    %dma_start3A_591 = tpu.memref_slice %arg4[%add3A_589, %dma_start3A_590] : memref<8192x1024xf32, #tpu.memory_space<hbm>> -> memref<16x1024xf32, #tpu.memory_space<hbm>>
    %dma_start3A_592 = arith.constant 0 : i32
    %dma_start3A_593 = tpu.memref_slice %arg4[%add3A_589, %dma_start3A_592] : memref<8192x1024xf32, #tpu.memory_space<hbm>> -> memref<16x1024xf32, #tpu.memory_space<hbm>>
    tpu.enqueue_dma source(%arg27 : memref<16x1024xf32, #tpu.memory_space<vmem>>) target(%dma_start3A_593 : memref<16x1024xf32, #tpu.memory_space<hbm>>) target_semaphore(%arg39 : memref<!tpu.dma_semaphore, #tpu.memory_space<semaphore_mem>>)
    %dma_wait3A_594 = arith.constant 0 : i32
    %dma_wait3A_595 = tpu.memref_slice %arg4[%add3A_589, %dma_wait3A_594] : memref<8192x1024xf32, #tpu.memory_space<hbm>> -> memref<16x1024xf32, #tpu.memory_space<hbm>>
    %dma_wait3A_596 = arith.constant 0 : i32
    %dma_wait3A_597 = tpu.memref_slice %arg4[%add3A_589, %dma_wait3A_596] : memref<8192x1024xf32, #tpu.memory_space<hbm>> -> memref<16x1024xf32, #tpu.memory_space<hbm>>
    tpu.wait_dma2 semaphore(%arg39 : memref<!tpu.dma_semaphore, #tpu.memory_space<semaphore_mem>>) src(%arg27 : memref<16x1024xf32, #tpu.memory_space<vmem>>) dst(%dma_wait3A_597 : memref<16x1024xf32, #tpu.memory_space<hbm>>)
    %dma_start3A_598 = arith.constant 0 : i32
    %dma_start3A_599 = arith.constant 0 : i32
    %dma_start3A_600 = tpu.memref_slice %arg3[%dma_start3A_598, %dma_start3A_599] : memref<2050x1024xf32, #tpu.memory_space<hbm>> -> memref<2050x1024xf32, #tpu.memory_space<hbm>>
    tpu.enqueue_indirect_dma source(%dma_start3A_600 : memref<2050x1024xf32, #tpu.memory_space<hbm>>) target(%arg27 : memref<16x1024xf32, #tpu.memory_space<vmem>>) offsets(%arg17 : memref<16xi32, #tpu.memory_space<vmem>>) semaphore(%arg33 : memref<!tpu.dma_semaphore, #tpu.memory_space<semaphore_mem>>)
    %dma_wait3A_601 = arith.constant 0 : i32
    %dma_wait3A_602 = arith.constant 0 : i32
    %dma_wait3A_603 = tpu.memref_slice %arg3[%dma_wait3A_601, %dma_wait3A_602] : memref<2050x1024xf32, #tpu.memory_space<hbm>> -> memref<2050x1024xf32, #tpu.memory_space<hbm>>
    tpu.wait_indirect_dma semaphore(%arg28 : memref<!tpu.dma_semaphore, #tpu.memory_space<semaphore_mem>>) src(%dma_wait3A_603 : memref<2050x1024xf32, #tpu.memory_space<hbm>>) dst(%arg22 : memref<16x1024xf32, #tpu.memory_space<vmem>>)
    %add3A_604 = arith.constant 96 : i32
    %add3A_605 = arith.addi %mul3A_488, %add3A_604 : i32
    %dma_start3A_606 = arith.constant 0 : i32
    %dma_start3A_607 = tpu.memref_slice %arg4[%add3A_605, %dma_start3A_606] : memref<8192x1024xf32, #tpu.memory_space<hbm>> -> memref<16x1024xf32, #tpu.memory_space<hbm>>
    %dma_start3A_608 = arith.constant 0 : i32
    %dma_start3A_609 = tpu.memref_slice %arg4[%add3A_605, %dma_start3A_608] : memref<8192x1024xf32, #tpu.memory_space<hbm>> -> memref<16x1024xf32, #tpu.memory_space<hbm>>
    tpu.enqueue_dma source(%arg22 : memref<16x1024xf32, #tpu.memory_space<vmem>>) target(%dma_start3A_609 : memref<16x1024xf32, #tpu.memory_space<hbm>>) target_semaphore(%arg34 : memref<!tpu.dma_semaphore, #tpu.memory_space<semaphore_mem>>)
    %dma_wait3A_610 = arith.constant 0 : i32
    %dma_wait3A_611 = tpu.memref_slice %arg4[%add3A_605, %dma_wait3A_610] : memref<8192x1024xf32, #tpu.memory_space<hbm>> -> memref<16x1024xf32, #tpu.memory_space<hbm>>
    %dma_wait3A_612 = arith.constant 0 : i32
    %dma_wait3A_613 = tpu.memref_slice %arg4[%add3A_605, %dma_wait3A_612] : memref<8192x1024xf32, #tpu.memory_space<hbm>> -> memref<16x1024xf32, #tpu.memory_space<hbm>>
    tpu.wait_dma2 semaphore(%arg34 : memref<!tpu.dma_semaphore, #tpu.memory_space<semaphore_mem>>) src(%arg22 : memref<16x1024xf32, #tpu.memory_space<vmem>>) dst(%dma_wait3A_613 : memref<16x1024xf32, #tpu.memory_space<hbm>>)
    %dma_start3A_614 = arith.constant 0 : i32
    %dma_start3A_615 = arith.constant 0 : i32
    %dma_start3A_616 = tpu.memref_slice %arg3[%dma_start3A_614, %dma_start3A_615] : memref<2050x1024xf32, #tpu.memory_space<hbm>> -> memref<2050x1024xf32, #tpu.memory_space<hbm>>
    tpu.enqueue_indirect_dma source(%dma_start3A_616 : memref<2050x1024xf32, #tpu.memory_space<hbm>>) target(%arg22 : memref<16x1024xf32, #tpu.memory_space<vmem>>) offsets(%arg18 : memref<16xi32, #tpu.memory_space<vmem>>) semaphore(%arg28 : memref<!tpu.dma_semaphore, #tpu.memory_space<semaphore_mem>>)
    %dma_wait3A_617 = arith.constant 0 : i32
    %dma_wait3A_618 = arith.constant 0 : i32
    %dma_wait3A_619 = tpu.memref_slice %arg3[%dma_wait3A_617, %dma_wait3A_618] : memref<2050x1024xf32, #tpu.memory_space<hbm>> -> memref<2050x1024xf32, #tpu.memory_space<hbm>>
    tpu.wait_indirect_dma semaphore(%arg29 : memref<!tpu.dma_semaphore, #tpu.memory_space<semaphore_mem>>) src(%dma_wait3A_619 : memref<2050x1024xf32, #tpu.memory_space<hbm>>) dst(%arg23 : memref<16x1024xf32, #tpu.memory_space<vmem>>)
    %add3A_620 = arith.constant 112 : i32
    %add3A_621 = arith.addi %mul3A_488, %add3A_620 : i32
    %dma_start3A_622 = arith.constant 0 : i32
    %dma_start3A_623 = tpu.memref_slice %arg4[%add3A_621, %dma_start3A_622] : memref<8192x1024xf32, #tpu.memory_space<hbm>> -> memref<16x1024xf32, #tpu.memory_space<hbm>>
    %dma_start3A_624 = arith.constant 0 : i32
    %dma_start3A_625 = tpu.memref_slice %arg4[%add3A_621, %dma_start3A_624] : memref<8192x1024xf32, #tpu.memory_space<hbm>> -> memref<16x1024xf32, #tpu.memory_space<hbm>>
    tpu.enqueue_dma source(%arg23 : memref<16x1024xf32, #tpu.memory_space<vmem>>) target(%dma_start3A_625 : memref<16x1024xf32, #tpu.memory_space<hbm>>) target_semaphore(%arg35 : memref<!tpu.dma_semaphore, #tpu.memory_space<semaphore_mem>>)
    %dma_wait3A_626 = arith.constant 0 : i32
    %dma_wait3A_627 = tpu.memref_slice %arg4[%add3A_621, %dma_wait3A_626] : memref<8192x1024xf32, #tpu.memory_space<hbm>> -> memref<16x1024xf32, #tpu.memory_space<hbm>>
    %dma_wait3A_628 = arith.constant 0 : i32
    %dma_wait3A_629 = tpu.memref_slice %arg4[%add3A_621, %dma_wait3A_628] : memref<8192x1024xf32, #tpu.memory_space<hbm>> -> memref<16x1024xf32, #tpu.memory_space<hbm>>
    tpu.wait_dma2 semaphore(%arg35 : memref<!tpu.dma_semaphore, #tpu.memory_space<semaphore_mem>>) src(%arg23 : memref<16x1024xf32, #tpu.memory_space<vmem>>) dst(%dma_wait3A_629 : memref<16x1024xf32, #tpu.memory_space<hbm>>)
    %dma_start3A_630 = arith.constant 0 : i32
    %dma_start3A_631 = arith.constant 0 : i32
    %dma_start3A_632 = tpu.memref_slice %arg3[%dma_start3A_630, %dma_start3A_631] : memref<2050x1024xf32, #tpu.memory_space<hbm>> -> memref<2050x1024xf32, #tpu.memory_space<hbm>>
    tpu.enqueue_indirect_dma source(%dma_start3A_632 : memref<2050x1024xf32, #tpu.memory_space<hbm>>) target(%arg23 : memref<16x1024xf32, #tpu.memory_space<vmem>>) offsets(%arg19 : memref<16xi32, #tpu.memory_space<vmem>>) semaphore(%arg29 : memref<!tpu.dma_semaphore, #tpu.memory_space<semaphore_mem>>)
    %dma_wait3A_633 = arith.constant 0 : i32
    %dma_wait3A_634 = arith.constant 0 : i32
    %dma_wait3A_635 = tpu.memref_slice %arg3[%dma_wait3A_633, %dma_wait3A_634] : memref<2050x1024xf32, #tpu.memory_space<hbm>> -> memref<2050x1024xf32, #tpu.memory_space<hbm>>
    tpu.wait_indirect_dma semaphore(%arg30 : memref<!tpu.dma_semaphore, #tpu.memory_space<semaphore_mem>>) src(%dma_wait3A_635 : memref<2050x1024xf32, #tpu.memory_space<hbm>>) dst(%arg24 : memref<16x1024xf32, #tpu.memory_space<vmem>>)
    %add3A_636 = arith.constant 128 : i32
    %add3A_637 = arith.addi %mul3A_488, %add3A_636 : i32
    %dma_start3A_638 = arith.constant 0 : i32
    %dma_start3A_639 = tpu.memref_slice %arg4[%add3A_637, %dma_start3A_638] : memref<8192x1024xf32, #tpu.memory_space<hbm>> -> memref<16x1024xf32, #tpu.memory_space<hbm>>
    %dma_start3A_640 = arith.constant 0 : i32
    %dma_start3A_641 = tpu.memref_slice %arg4[%add3A_637, %dma_start3A_640] : memref<8192x1024xf32, #tpu.memory_space<hbm>> -> memref<16x1024xf32, #tpu.memory_space<hbm>>
    tpu.enqueue_dma source(%arg24 : memref<16x1024xf32, #tpu.memory_space<vmem>>) target(%dma_start3A_641 : memref<16x1024xf32, #tpu.memory_space<hbm>>) target_semaphore(%arg36 : memref<!tpu.dma_semaphore, #tpu.memory_space<semaphore_mem>>)
    %dma_wait3A_642 = arith.constant 0 : i32
    %dma_wait3A_643 = tpu.memref_slice %arg4[%add3A_637, %dma_wait3A_642] : memref<8192x1024xf32, #tpu.memory_space<hbm>> -> memref<16x1024xf32, #tpu.memory_space<hbm>>
    %dma_wait3A_644 = arith.constant 0 : i32
    %dma_wait3A_645 = tpu.memref_slice %arg4[%add3A_637, %dma_wait3A_644] : memref<8192x1024xf32, #tpu.memory_space<hbm>> -> memref<16x1024xf32, #tpu.memory_space<hbm>>
    tpu.wait_dma2 semaphore(%arg36 : memref<!tpu.dma_semaphore, #tpu.memory_space<semaphore_mem>>) src(%arg24 : memref<16x1024xf32, #tpu.memory_space<vmem>>) dst(%dma_wait3A_645 : memref<16x1024xf32, #tpu.memory_space<hbm>>)
    %dma_start3A_646 = arith.constant 0 : i32
    %dma_start3A_647 = arith.constant 0 : i32
    %dma_start3A_648 = tpu.memref_slice %arg3[%dma_start3A_646, %dma_start3A_647] : memref<2050x1024xf32, #tpu.memory_space<hbm>> -> memref<2050x1024xf32, #tpu.memory_space<hbm>>
    tpu.enqueue_indirect_dma source(%dma_start3A_648 : memref<2050x1024xf32, #tpu.memory_space<hbm>>) target(%arg24 : memref<16x1024xf32, #tpu.memory_space<vmem>>) offsets(%arg20 : memref<16xi32, #tpu.memory_space<vmem>>) semaphore(%arg30 : memref<!tpu.dma_semaphore, #tpu.memory_space<semaphore_mem>>)
    %dma_wait3A_649 = arith.constant 0 : i32
    %dma_wait3A_650 = arith.constant 0 : i32
    %dma_wait3A_651 = tpu.memref_slice %arg3[%dma_wait3A_649, %dma_wait3A_650] : memref<2050x1024xf32, #tpu.memory_space<hbm>> -> memref<2050x1024xf32, #tpu.memory_space<hbm>>
    tpu.wait_indirect_dma semaphore(%arg31 : memref<!tpu.dma_semaphore, #tpu.memory_space<semaphore_mem>>) src(%dma_wait3A_651 : memref<2050x1024xf32, #tpu.memory_space<hbm>>) dst(%arg25 : memref<16x1024xf32, #tpu.memory_space<vmem>>)
    %add3A_652 = arith.constant 144 : i32
    %add3A_653 = arith.addi %mul3A_488, %add3A_652 : i32
    %dma_start3A_654 = arith.constant 0 : i32
    %dma_start3A_655 = tpu.memref_slice %arg4[%add3A_653, %dma_start3A_654] : memref<8192x1024xf32, #tpu.memory_space<hbm>> -> memref<16x1024xf32, #tpu.memory_space<hbm>>
    %dma_start3A_656 = arith.constant 0 : i32
    %dma_start3A_657 = tpu.memref_slice %arg4[%add3A_653, %dma_start3A_656] : memref<8192x1024xf32, #tpu.memory_space<hbm>> -> memref<16x1024xf32, #tpu.memory_space<hbm>>
    tpu.enqueue_dma source(%arg25 : memref<16x1024xf32, #tpu.memory_space<vmem>>) target(%dma_start3A_657 : memref<16x1024xf32, #tpu.memory_space<hbm>>) target_semaphore(%arg37 : memref<!tpu.dma_semaphore, #tpu.memory_space<semaphore_mem>>)
    %dma_wait3A_658 = arith.constant 0 : i32
    %dma_wait3A_659 = tpu.memref_slice %arg4[%add3A_653, %dma_wait3A_658] : memref<8192x1024xf32, #tpu.memory_space<hbm>> -> memref<16x1024xf32, #tpu.memory_space<hbm>>
    %dma_wait3A_660 = arith.constant 0 : i32
    %dma_wait3A_661 = tpu.memref_slice %arg4[%add3A_653, %dma_wait3A_660] : memref<8192x1024xf32, #tpu.memory_space<hbm>> -> memref<16x1024xf32, #tpu.memory_space<hbm>>
    tpu.wait_dma2 semaphore(%arg37 : memref<!tpu.dma_semaphore, #tpu.memory_space<semaphore_mem>>) src(%arg25 : memref<16x1024xf32, #tpu.memory_space<vmem>>) dst(%dma_wait3A_661 : memref<16x1024xf32, #tpu.memory_space<hbm>>)
    %dma_start3A_662 = arith.constant 0 : i32
    %dma_start3A_663 = arith.constant 0 : i32
    %dma_start3A_664 = tpu.memref_slice %arg3[%dma_start3A_662, %dma_start3A_663] : memref<2050x1024xf32, #tpu.memory_space<hbm>> -> memref<2050x1024xf32, #tpu.memory_space<hbm>>
    tpu.enqueue_indirect_dma source(%dma_start3A_664 : memref<2050x1024xf32, #tpu.memory_space<hbm>>) target(%arg25 : memref<16x1024xf32, #tpu.memory_space<vmem>>) offsets(%arg21 : memref<16xi32, #tpu.memory_space<vmem>>) semaphore(%arg31 : memref<!tpu.dma_semaphore, #tpu.memory_space<semaphore_mem>>)
    %dma_wait3A_665 = arith.constant 0 : i32
    %dma_wait3A_666 = arith.constant 0 : i32
    %dma_wait3A_667 = tpu.memref_slice %arg3[%dma_wait3A_665, %dma_wait3A_666] : memref<2050x1024xf32, #tpu.memory_space<hbm>> -> memref<2050x1024xf32, #tpu.memory_space<hbm>>
    tpu.wait_indirect_dma semaphore(%arg32 : memref<!tpu.dma_semaphore, #tpu.memory_space<semaphore_mem>>) src(%dma_wait3A_667 : memref<2050x1024xf32, #tpu.memory_space<hbm>>) dst(%arg26 : memref<16x1024xf32, #tpu.memory_space<vmem>>)
    %add3A_668 = arith.constant 160 : i32
    %add3A_669 = arith.addi %mul3A_488, %add3A_668 : i32
    %dma_start3A_670 = arith.constant 0 : i32
    %dma_start3A_671 = tpu.memref_slice %arg4[%add3A_669, %dma_start3A_670] : memref<8192x1024xf32, #tpu.memory_space<hbm>> -> memref<16x1024xf32, #tpu.memory_space<hbm>>
    %dma_start3A_672 = arith.constant 0 : i32
    %dma_start3A_673 = tpu.memref_slice %arg4[%add3A_669, %dma_start3A_672] : memref<8192x1024xf32, #tpu.memory_space<hbm>> -> memref<16x1024xf32, #tpu.memory_space<hbm>>
    tpu.enqueue_dma source(%arg26 : memref<16x1024xf32, #tpu.memory_space<vmem>>) target(%dma_start3A_673 : memref<16x1024xf32, #tpu.memory_space<hbm>>) target_semaphore(%arg38 : memref<!tpu.dma_semaphore, #tpu.memory_space<semaphore_mem>>)
    %dma_wait3A_674 = arith.constant 0 : i32
    %dma_wait3A_675 = arith.constant 0 : i32
    %dma_wait3A_676 = tpu.memref_slice %arg3[%dma_wait3A_674, %dma_wait3A_675] : memref<2050x1024xf32, #tpu.memory_space<hbm>> -> memref<2050x1024xf32, #tpu.memory_space<hbm>>
    tpu.wait_indirect_dma semaphore(%arg33 : memref<!tpu.dma_semaphore, #tpu.memory_space<semaphore_mem>>) src(%dma_wait3A_676 : memref<2050x1024xf32, #tpu.memory_space<hbm>>) dst(%arg27 : memref<16x1024xf32, #tpu.memory_space<vmem>>)
    %add3A_677 = arith.constant 176 : i32
    %add3A_678 = arith.addi %mul3A_488, %add3A_677 : i32
    %dma_start3A_679 = arith.constant 0 : i32
    %dma_start3A_680 = tpu.memref_slice %arg4[%add3A_678, %dma_start3A_679] : memref<8192x1024xf32, #tpu.memory_space<hbm>> -> memref<16x1024xf32, #tpu.memory_space<hbm>>
    %dma_start3A_681 = arith.constant 0 : i32
    %dma_start3A_682 = tpu.memref_slice %arg4[%add3A_678, %dma_start3A_681] : memref<8192x1024xf32, #tpu.memory_space<hbm>> -> memref<16x1024xf32, #tpu.memory_space<hbm>>
    tpu.enqueue_dma source(%arg27 : memref<16x1024xf32, #tpu.memory_space<vmem>>) target(%dma_start3A_682 : memref<16x1024xf32, #tpu.memory_space<hbm>>) target_semaphore(%arg39 : memref<!tpu.dma_semaphore, #tpu.memory_space<semaphore_mem>>)
    %dma_wait3A_683 = arith.constant 0 : i32
    %dma_wait3A_684 = arith.constant 0 : i32
    %dma_wait3A_685 = tpu.memref_slice %arg3[%dma_wait3A_683, %dma_wait3A_684] : memref<2050x1024xf32, #tpu.memory_space<hbm>> -> memref<2050x1024xf32, #tpu.memory_space<hbm>>
    tpu.wait_indirect_dma semaphore(%arg28 : memref<!tpu.dma_semaphore, #tpu.memory_space<semaphore_mem>>) src(%dma_wait3A_685 : memref<2050x1024xf32, #tpu.memory_space<hbm>>) dst(%arg22 : memref<16x1024xf32, #tpu.memory_space<vmem>>)
    %add3A_686 = arith.constant 192 : i32
    %add3A_687 = arith.addi %mul3A_488, %add3A_686 : i32
    %dma_start3A_688 = arith.constant 0 : i32
    %dma_start3A_689 = tpu.memref_slice %arg4[%add3A_687, %dma_start3A_688] : memref<8192x1024xf32, #tpu.memory_space<hbm>> -> memref<16x1024xf32, #tpu.memory_space<hbm>>
    %dma_start3A_690 = arith.constant 0 : i32
    %dma_start3A_691 = tpu.memref_slice %arg4[%add3A_687, %dma_start3A_690] : memref<8192x1024xf32, #tpu.memory_space<hbm>> -> memref<16x1024xf32, #tpu.memory_space<hbm>>
    tpu.enqueue_dma source(%arg22 : memref<16x1024xf32, #tpu.memory_space<vmem>>) target(%dma_start3A_691 : memref<16x1024xf32, #tpu.memory_space<hbm>>) target_semaphore(%arg34 : memref<!tpu.dma_semaphore, #tpu.memory_space<semaphore_mem>>)
    %dma_wait3A_692 = arith.constant 0 : i32
    %dma_wait3A_693 = arith.constant 0 : i32
    %dma_wait3A_694 = tpu.memref_slice %arg3[%dma_wait3A_692, %dma_wait3A_693] : memref<2050x1024xf32, #tpu.memory_space<hbm>> -> memref<2050x1024xf32, #tpu.memory_space<hbm>>
    tpu.wait_indirect_dma semaphore(%arg29 : memref<!tpu.dma_semaphore, #tpu.memory_space<semaphore_mem>>) src(%dma_wait3A_694 : memref<2050x1024xf32, #tpu.memory_space<hbm>>) dst(%arg23 : memref<16x1024xf32, #tpu.memory_space<vmem>>)
    %add3A_695 = arith.constant 208 : i32
    %add3A_696 = arith.addi %mul3A_488, %add3A_695 : i32
    %dma_start3A_697 = arith.constant 0 : i32
    %dma_start3A_698 = tpu.memref_slice %arg4[%add3A_696, %dma_start3A_697] : memref<8192x1024xf32, #tpu.memory_space<hbm>> -> memref<16x1024xf32, #tpu.memory_space<hbm>>
    %dma_start3A_699 = arith.constant 0 : i32
    %dma_start3A_700 = tpu.memref_slice %arg4[%add3A_696, %dma_start3A_699] : memref<8192x1024xf32, #tpu.memory_space<hbm>> -> memref<16x1024xf32, #tpu.memory_space<hbm>>
    tpu.enqueue_dma source(%arg23 : memref<16x1024xf32, #tpu.memory_space<vmem>>) target(%dma_start3A_700 : memref<16x1024xf32, #tpu.memory_space<hbm>>) target_semaphore(%arg35 : memref<!tpu.dma_semaphore, #tpu.memory_space<semaphore_mem>>)
    %dma_wait3A_701 = arith.constant 0 : i32
    %dma_wait3A_702 = arith.constant 0 : i32
    %dma_wait3A_703 = tpu.memref_slice %arg3[%dma_wait3A_701, %dma_wait3A_702] : memref<2050x1024xf32, #tpu.memory_space<hbm>> -> memref<2050x1024xf32, #tpu.memory_space<hbm>>
    tpu.wait_indirect_dma semaphore(%arg30 : memref<!tpu.dma_semaphore, #tpu.memory_space<semaphore_mem>>) src(%dma_wait3A_703 : memref<2050x1024xf32, #tpu.memory_space<hbm>>) dst(%arg24 : memref<16x1024xf32, #tpu.memory_space<vmem>>)
    %add3A_704 = arith.constant 224 : i32
    %add3A_705 = arith.addi %mul3A_488, %add3A_704 : i32
    %dma_start3A_706 = arith.constant 0 : i32
    %dma_start3A_707 = tpu.memref_slice %arg4[%add3A_705, %dma_start3A_706] : memref<8192x1024xf32, #tpu.memory_space<hbm>> -> memref<16x1024xf32, #tpu.memory_space<hbm>>
    %dma_start3A_708 = arith.constant 0 : i32
    %dma_start3A_709 = tpu.memref_slice %arg4[%add3A_705, %dma_start3A_708] : memref<8192x1024xf32, #tpu.memory_space<hbm>> -> memref<16x1024xf32, #tpu.memory_space<hbm>>
    tpu.enqueue_dma source(%arg24 : memref<16x1024xf32, #tpu.memory_space<vmem>>) target(%dma_start3A_709 : memref<16x1024xf32, #tpu.memory_space<hbm>>) target_semaphore(%arg36 : memref<!tpu.dma_semaphore, #tpu.memory_space<semaphore_mem>>)
    %dma_wait3A_710 = arith.constant 0 : i32
    %dma_wait3A_711 = arith.constant 0 : i32
    %dma_wait3A_712 = tpu.memref_slice %arg3[%dma_wait3A_710, %dma_wait3A_711] : memref<2050x1024xf32, #tpu.memory_space<hbm>> -> memref<2050x1024xf32, #tpu.memory_space<hbm>>
    tpu.wait_indirect_dma semaphore(%arg31 : memref<!tpu.dma_semaphore, #tpu.memory_space<semaphore_mem>>) src(%dma_wait3A_712 : memref<2050x1024xf32, #tpu.memory_space<hbm>>) dst(%arg25 : memref<16x1024xf32, #tpu.memory_space<vmem>>)
    %add3A_713 = arith.constant 240 : i32
    %add3A_714 = arith.addi %mul3A_488, %add3A_713 : i32
    %dma_start3A_715 = arith.constant 0 : i32
    %dma_start3A_716 = tpu.memref_slice %arg4[%add3A_714, %dma_start3A_715] : memref<8192x1024xf32, #tpu.memory_space<hbm>> -> memref<16x1024xf32, #tpu.memory_space<hbm>>
    %dma_start3A_717 = arith.constant 0 : i32
    %dma_start3A_718 = tpu.memref_slice %arg4[%add3A_714, %dma_start3A_717] : memref<8192x1024xf32, #tpu.memory_space<hbm>> -> memref<16x1024xf32, #tpu.memory_space<hbm>>
    tpu.enqueue_dma source(%arg25 : memref<16x1024xf32, #tpu.memory_space<vmem>>) target(%dma_start3A_718 : memref<16x1024xf32, #tpu.memory_space<hbm>>) target_semaphore(%arg37 : memref<!tpu.dma_semaphore, #tpu.memory_space<semaphore_mem>>)
    %dma_wait3A_719 = arith.constant 0 : i32
    %dma_wait3A_720 = tpu.memref_slice %arg4[%add3A_687, %dma_wait3A_719] : memref<8192x1024xf32, #tpu.memory_space<hbm>> -> memref<16x1024xf32, #tpu.memory_space<hbm>>
    %dma_wait3A_721 = arith.constant 0 : i32
    %dma_wait3A_722 = tpu.memref_slice %arg4[%add3A_687, %dma_wait3A_721] : memref<8192x1024xf32, #tpu.memory_space<hbm>> -> memref<16x1024xf32, #tpu.memory_space<hbm>>
    tpu.wait_dma2 semaphore(%arg34 : memref<!tpu.dma_semaphore, #tpu.memory_space<semaphore_mem>>) src(%arg22 : memref<16x1024xf32, #tpu.memory_space<vmem>>) dst(%dma_wait3A_722 : memref<16x1024xf32, #tpu.memory_space<hbm>>)
    %dma_wait3A_723 = arith.constant 0 : i32
    %dma_wait3A_724 = tpu.memref_slice %arg4[%add3A_696, %dma_wait3A_723] : memref<8192x1024xf32, #tpu.memory_space<hbm>> -> memref<16x1024xf32, #tpu.memory_space<hbm>>
    %dma_wait3A_725 = arith.constant 0 : i32
    %dma_wait3A_726 = tpu.memref_slice %arg4[%add3A_696, %dma_wait3A_725] : memref<8192x1024xf32, #tpu.memory_space<hbm>> -> memref<16x1024xf32, #tpu.memory_space<hbm>>
    tpu.wait_dma2 semaphore(%arg35 : memref<!tpu.dma_semaphore, #tpu.memory_space<semaphore_mem>>) src(%arg23 : memref<16x1024xf32, #tpu.memory_space<vmem>>) dst(%dma_wait3A_726 : memref<16x1024xf32, #tpu.memory_space<hbm>>)
    %dma_wait3A_727 = arith.constant 0 : i32
    %dma_wait3A_728 = tpu.memref_slice %arg4[%add3A_705, %dma_wait3A_727] : memref<8192x1024xf32, #tpu.memory_space<hbm>> -> memref<16x1024xf32, #tpu.memory_space<hbm>>
    %dma_wait3A_729 = arith.constant 0 : i32
    %dma_wait3A_730 = tpu.memref_slice %arg4[%add3A_705, %dma_wait3A_729] : memref<8192x1024xf32, #tpu.memory_space<hbm>> -> memref<16x1024xf32, #tpu.memory_space<hbm>>
    tpu.wait_dma2 semaphore(%arg36 : memref<!tpu.dma_semaphore, #tpu.memory_space<semaphore_mem>>) src(%arg24 : memref<16x1024xf32, #tpu.memory_space<vmem>>) dst(%dma_wait3A_730 : memref<16x1024xf32, #tpu.memory_space<hbm>>)
    %dma_wait3A_731 = arith.constant 0 : i32
    %dma_wait3A_732 = tpu.memref_slice %arg4[%add3A_714, %dma_wait3A_731] : memref<8192x1024xf32, #tpu.memory_space<hbm>> -> memref<16x1024xf32, #tpu.memory_space<hbm>>
    %dma_wait3A_733 = arith.constant 0 : i32
    %dma_wait3A_734 = tpu.memref_slice %arg4[%add3A_714, %dma_wait3A_733] : memref<8192x1024xf32, #tpu.memory_space<hbm>> -> memref<16x1024xf32, #tpu.memory_space<hbm>>
    tpu.wait_dma2 semaphore(%arg37 : memref<!tpu.dma_semaphore, #tpu.memory_space<semaphore_mem>>) src(%arg25 : memref<16x1024xf32, #tpu.memory_space<vmem>>) dst(%dma_wait3A_734 : memref<16x1024xf32, #tpu.memory_space<hbm>>)
    %dma_wait3A_735 = arith.constant 0 : i32
    %dma_wait3A_736 = tpu.memref_slice %arg4[%add3A_669, %dma_wait3A_735] : memref<8192x1024xf32, #tpu.memory_space<hbm>> -> memref<16x1024xf32, #tpu.memory_space<hbm>>
    %dma_wait3A_737 = arith.constant 0 : i32
    %dma_wait3A_738 = tpu.memref_slice %arg4[%add3A_669, %dma_wait3A_737] : memref<8192x1024xf32, #tpu.memory_space<hbm>> -> memref<16x1024xf32, #tpu.memory_space<hbm>>
    tpu.wait_dma2 semaphore(%arg38 : memref<!tpu.dma_semaphore, #tpu.memory_space<semaphore_mem>>) src(%arg26 : memref<16x1024xf32, #tpu.memory_space<vmem>>) dst(%dma_wait3A_738 : memref<16x1024xf32, #tpu.memory_space<hbm>>)
    %dma_wait3A_739 = arith.constant 0 : i32
    %dma_wait3A_740 = tpu.memref_slice %arg4[%add3A_678, %dma_wait3A_739] : memref<8192x1024xf32, #tpu.memory_space<hbm>> -> memref<16x1024xf32, #tpu.memory_space<hbm>>
    %dma_wait3A_741 = arith.constant 0 : i32
    %dma_wait3A_742 = tpu.memref_slice %arg4[%add3A_678, %dma_wait3A_741] : memref<8192x1024xf32, #tpu.memory_space<hbm>> -> memref<16x1024xf32, #tpu.memory_space<hbm>>
    tpu.wait_dma2 semaphore(%arg39 : memref<!tpu.dma_semaphore, #tpu.memory_space<semaphore_mem>>) src(%arg27 : memref<16x1024xf32, #tpu.memory_space<vmem>>) dst(%dma_wait3A_742 : memref<16x1024xf32, #tpu.memory_space<hbm>>)
    return
  }
}

</mosaic_0001>

<sc_bundles>
// kernel: kernel.3.cloned.1.call-start
scs
__scs_entry_jumppad:
0x0: {  	(pc) =	sbr.rel $0x88, $3  }
0x1: {  	(tag) =	ssettag $0x0;
	lr =	simm.s32 $0x1  }
0x2: {  	[smem:$0x3F9F] =	sst lr;
	_ =	strace $0xD0000000  }
0x3: {  	_ = 	snop  }
0x4: {  	_ = 	snop  }
0x5: {  	_ = 	snop  }
0x6: {  	_ = 	snop  }
0x7: {  	_ = 	snop  }
__scs_overlays_trampoline_lowered:
0x8: {  	[smem:$0x3FAE] =	sst s0  }
0x9: {  	[smem:$0x3FAF] =	sst s1  }
0xa: {  	[smem:$0x3FB0] =	sst s2  }
0xb: {  	[smem:$0x3FB1] =	sst s3  }
0xc: {  	[smem:$0x3FB2] =	sst s4  }
0xd: {  	[smem:$0x3FB3] =	sst s5  }
0xe: {  	[smem:$0x3FB4] =	sst s6  }
0xf: {  	[smem:$0x3FB5] =	sst s7  }
0x10: {  	[smem:$0x3FB6] =	sst s8  }
0x11: {  	[smem:$0x3FB7] =	sst s9;
	s0 =	simm.s32 @!p0 $0x0  }
0x12: {  	s1 =	sld [smem:$0x3F9D];
	s0 =	simm.s32 @p0 $0x1  }
0x13: {  	[smem:$0x3FB8] =	sst s0;
	s0 =	simm.s32 @!p1 $0x0  }
0x14: {  	s2 =	sld [smem:$0x3F9C];
	s0 =	simm.s32 @p1 $0x1  }
0x15: {  	[smem:$0x3FB9] =	sst s0;
	s0 =	simm.s32 @!p2 $0x0  }
0x16: {  	s3 =	sld [smem:$0x3FDB];
	s0 =	simm.s32 @p2 $0x1  }
0x17: {  	s4 =	simm.s32 $0x1BF5;
	[smem:$0x3FBB] =	sst s0  }
0x18: {  	s0 =	sld [smem:$0x3F9E];
	_ =	swait.ge [sflag:s4], $0x0  }
0x19: {  	s7 =	sld [smem:$0x3F9F]  }
0x1a: {  	s8 =	sadd.s32 $0xFFFFE003, lr  }
0x1b: {  	s9 =	sadd.s32 $0xFFFFFEF7, lr;
	s5 =	simm.s32 $0xFFFFFFFF;
	p2 =	slt.u32 s8, $0xFFFFF086  }
0x1c: {  	p1 =	slt.u32 s9, $0xF7A;
	s5 =	simm.s32 @!p2 $0x0  }
0x1d: {  	s5 =	simm.s32 @p1 $0x1;
	p0 =	seq.s32 s7, s2  }
0x1e: {  	s7 =	smul.u32 @!p0 $0xF7A, s2;
	p2 =	seq.s32 @!p0 s5, $0x0  }
0x1f: {  	s9 =	smul.u32 $0xF7A, s1;
	s8 =	simm.s32 @!p0 $0x1BF5;
	p2 =	por !p2, p0  }
0x20: {  	[sflag:s8] =	ssyncset.s32 @!p0 $0xFFFFF086;
	s6 =	sadd.s32 @!p0 s3, s7;
	s7 =	simm.s32 @!p0 $0x108  }
0x21: {  	s3 =	sadd.s32 s3, s9;
	s6 =	sadd.s32 @!p0 $0x88, s6;
	s7 =	simm.s32 @p2 $0x1082  }
0x22: {  	[simem:s7], [sflag:s8] =	dma.local @!p0 [hbm:s6], $0xF7A  }
0x23: {  	s9 =	sor.u32 $0xD0000000, s2;
	s6 =	simm.s32 $0x108;
	_ =	swait.ge @!p0 [sflag:s8], $0x0  }
0x24: {  	s3 =	sadd.s32 $0x88, s3;
	s6 =	simm.s32 @!p1 $0x1082;
	[sflag:s4] =	ssyncset.s32 $0xFFFFF086  }
0x25: {  	[simem:s6], [sflag:s4] =	dma.local [hbm:s3], $0xF7A  }
0x26: {  	[smem:$0x3F9F] =	sst s1;
	(tag) =	ssettag s2;
	_ =	strace s9  }
0x27: {  	s1 =	sld [smem:$0x3FAF]  }
0x28: {  	s2 =	sld [smem:$0x3FB0]  }
0x29: {  	s4 =	sld [smem:$0x3FB2]  }
0x2a: {  	p0 =	seq.s32 s5, $0x0;
	s5 =	sld [smem:$0x3FB3]  }
0x2b: {  	s6 =	sld [smem:$0x3FB4]  }
0x2c: {  	s7 =	sld [smem:$0x3FB5]  }
0x2d: {  	s3 =	simm.s32 $0x108;
	s8 =	sld [smem:$0x3FB6]  }
0x2e: {  	s3 =	simm.s32 @!p0 $0x1082;
	s9 =	sld [smem:$0x3FB7]  }
0x2f: {  	lr =	sadd.s32 s0, s3;
	s0 =	sld [smem:$0x3FAE]  }
0x30: {  	s3 =	sld [smem:$0x3FB1]  }
0x31: {  	[smem:$0x3FBA] =	sst s10  }
0x32: {  	s10 =	sld [smem:$0x3FB8];
	_ =	sdelay $0x3  }
0x33: {  	p0 =	seq.s32 s10, $0x1;
	s10 =	sld [smem:$0x3FBA];
	_ =	sdelay $0x3  }
0x34: {  	[smem:$0x3FBA] =	sst s10  }
0x35: {  	s10 =	sld [smem:$0x3FB9];
	_ =	sdelay $0x3  }
0x36: {  	p1 =	seq.s32 s10, $0x1;
	s10 =	sld [smem:$0x3FBA];
	_ =	sdelay $0x3  }
0x37: {  	[smem:$0x3FBA] =	sst s10  }
0x38: {  	s10 =	sld [smem:$0x3FBB]  }
0x39: {  	_ = 	snop;
	(pc) =	sbr.ind lr, $3  }
0x3a: {  	_ = 	snop  }
0x3b: {  	_ = 	snop  }
0x3c: {  	p2 =	seq.s32 s10, $0x1;
	s10 =	sld [smem:$0x3FBA]  }
0x3d: {  	_ =	shalt  }
0x3e: {  	_ =	shalt  }
0x3f: {  	_ =	shalt  }
0x40: {  	_ =	shalt  }
0x41: {  	_ =	shalt  }
0x42: {  	_ =	shalt  }
0x43: {  	_ =	shalt  }
0x44: {  	_ =	shalt  }
0x45: {  	_ =	shalt  }
0x46: {  	_ =	shalt  }
0x47: {  	_ =	shalt  }
0x48: {  	_ =	shalt  }
0x49: {  	_ =	shalt  }
0x4a: {  	_ =	shalt  }
0x4b: {  	_ =	shalt  }
0x4c: {  	_ =	shalt  }
0x4d: {  	_ =	shalt  }
0x4e: {  	_ =	shalt  }
0x4f: {  	_ =	shalt  }
0x50: {  	_ =	shalt  }
0x51: {  	_ =	shalt  }
0x52: {  	_ =	shalt  }
0x53: {  	_ =	shalt  }
0x54: {  	_ =	shalt  }
0x55: {  	_ =	shalt  }
0x56: {  	_ =	shalt  }
0x57: {  	_ =	shalt  }
0x58: {  	_ =	shalt  }
0x59: {  	_ =	shalt  }
0x5a: {  	_ =	shalt  }
0x5b: {  	_ =	shalt  }
0x5c: {  	_ =	shalt  }
0x5d: {  	_ =	shalt  }
0x5e: {  	_ =	shalt  }
0x5f: {  	_ =	shalt  }
0x60: {  	_ =	shalt  }
0x61: {  	_ =	shalt  }
0x62: {  	_ =	shalt  }
0x63: {  	_ =	shalt  }
0x64: {  	_ =	shalt  }
0x65: {  	_ =	shalt  }
0x66: {  	_ =	shalt  }
0x67: {  	_ =	shalt  }
0x68: {  	_ =	shalt  }
0x69: {  	_ =	shalt  }
0x6a: {  	_ =	shalt  }
0x6b: {  	_ =	shalt  }
0x6c: {  	_ =	shalt  }
0x6d: {  	_ =	shalt  }
0x6e: {  	_ =	shalt  }
0x6f: {  	_ =	shalt  }
0x70: {  	_ =	shalt  }
0x71: {  	_ =	shalt  }
0x72: {  	_ =	shalt  }
0x73: {  	_ =	shalt  }
0x74: {  	_ =	shalt  }
0x75: {  	_ =	shalt  }
0x76: {  	_ =	shalt  }
0x77: {  	_ =	shalt  }
0x78: {  	_ =	shalt  }
0x79: {  	_ =	shalt  }
0x7a: {  	_ =	shalt  }
0x7b: {  	_ =	shalt  }
0x7c: {  	_ =	shalt  }
0x7d: {  	_ =	shalt  }
0x7e: {  	_ =	shalt  }
0x7f: {  	_ =	shalt  }
0x80: {  	_ =	shalt  }
0x81: {  	_ =	shalt  }
0x82: {  	_ =	shalt  }
0x83: {  	_ =	shalt  }
0x84: {  	_ =	shalt  }
0x85: {  	_ =	shalt  }
0x86: {  	_ =	shalt  }
0x87: {  	_ =	shalt  }
.Lfunc_end0:
.L_simem_size_0:
called_computation_lowered:
.L_overlay_start_0:
0x88: {  	s2 =	sld [smem:$0x3FD9]  }
0x89: {  	s3 =	sld [smem:$0x3FFE];
	_ =	sdelay $0x1  }
0x8a: {  	s1 =	srdreg.scid  }
0x8b: {  	s0 =	sand.u32 $0x1, s1  }
0x8c: {  	s18 =	sshll.u32 s0, $0xA;
	s2 =	sadd.s32 s3, s2  }
0x8d: {  	s2 =	sadd.s32 s2, s18  }
0x8e: {  	[smem:$0x3FC6] =	sst s2  }
0x8f: {  	_ = 	snop  }
0x90: {  	s2 =	sld [smem:$0x3FC9]  }
0x91: {  	s19 =	sld [smem:$0x3FC8]  }
0x92: {  	s4 =	sld [smem:$0x3FD0];
	(tm) =	ssettm $0x1  }
0x93: {  	s5 =	sld [smem:$0x3FFB];
	_ =	sdelay $0x3  }
0x94: {  	_ =	strace s5  }
0x95: {  	s5 =	sld [smem:$0x3FFC];
	_ =	sdelay $0x3  }
0x96: {  	_ =	strace s5  }
0x97: {  	s5 =	sld [smem:$0x3FFD];
	_ =	sdelay $0x3  }
0x98: {  	_ =	strace s5  }
0x99: {  	_ =	strace $0x8FFFFFFF  }
0x9a: {  	s20 =	sld [smem:$0x3FDB];
	_ =	sdelay $0x1  }
0x9b: {  	s6 =	simm.s32 $_scs_section_size  }
0x9c: {  	s7 =	simm.s32 $_size__tile_overlayer_lowered;
	s8 =	simm.s32 $_tile_overlayer_lowered  }
0x9d: {  	s23 =	simm.s32 $0x1BFF;
	s22 =	sshll.u32 s8, $0x1;
	s5 =	sadd.s32 s6, s20  }
0x9e: {  	s9 =	simm.s32 $0x0;
	s21 =	sshll.u32 s7, $0x1;
	s7 =	sadd.s32 s22, s5  }
0x9f: {  	[timem:s9], [sflag:s23] =	dma.local [hbm:s7], s21  }
0xa0: {  	_ =	swait.ge [sflag:s23], s21  }
0xa1: {  	s6 =	ssub.s32 $0x0, s21;
	[sflag:s23] =	ssyncset.done $0x0  }
0xa2: {  	[sflag:s23] =	ssyncadd.s32 s6;
	_ =	sdelay $0x1  }
0xa3: {  	s24 =	simm.s32 $0x1B8B  }
0xa4: {  	_ =	swait.ge [sflag:s24], $0x1  }
0xa5: {  	[sflag:s24] =	ssyncset.done $0x0  }
0xa6: {  	s25 =	simm.s32 $0x1B8E;
	[sflag:s24] =	ssyncadd.s32 $0xFFFFFFFF  }
0xa7: {  	s26 =	simm.s32 $execute0_lowered;
	[smem:$0x3FD2] =	sst s25  }
0xa8: {  	s6 =	sshll.u32 s26, $0x1;
	_ =	strace $0x80000046;
	[dreg:$0x1] =	wrdreg $0xFFFFFFFF  }
0xa9: {  	s28 =	simm.s32 $_size_execute0_lowered;
	s5 =	sadd.s32 s5, s6;
	[dreg:$0x0] =	wrdreg $0x0  }
0xaa: {  	s6 =	sshll.u32 s28, $0x1;
	[dreg:$0x2] =	wrdreg s5  }
0xab: {  	[dreg:$0x3] =	wrdreg s6  }
0xac: {  	[dreg:$0x4] =	wrdreg $0xC0  }
0xad: {  	_ =	task [dreg:s9], $0x5FFFF  }
0xae: {  	[dreg:$0x1] =	wrdreg $0xFFFFFFFF  }
0xaf: {  	[dreg:$0x0] =	wrdreg $0x60  }
0xb0: {  	[dreg:$0x2] =	wrdreg s2  }
0xb1: {  	[dreg:$0x3] =	wrdreg s19  }
0xb2: {  	[dreg:$0x4] =	wrdreg s4  }
0xb3: {  	[dreg:$0x5] =	wrdreg $0x9  }
0xb4: {  	_ =	task.clear_ibuf [dreg:s9], $0x6FFFF;
	_ =	strace $0x90000046  }
0xb5: {  	s29 =	simm.s32 $0x9;
	_ =	strace $0x80000048  }
0xb6: {  	_ =	swait.ge [sflag:s29], $0x1  }
0xb7: {  	[sflag:s29] =	ssyncadd.s32 $0xFFFFFFFF  }
0xb8: {  	_ =	strace $0x90000048  }
0xb9: {  	_ =	sfence  }
0xba: {  	s30 =	sld [smem:$0x0];
	_ =	sdelay $0x2  }
0xbb: {  	s31 =	sshll.u32 s1, $0xD;
	s1 =	sshrl.u32 s1, $0x2  }
0xbc: {  	s3 =	sand.u32 $0x4000, s31;
	s1 =	sadd.s32 s1, s30  }
0xbd: {  	s0 =	sor.u32 s3, s0;
	s1 =	sshll.u32 s1, $0x11  }
0xbe: {  	s0 =	sor.u32 s1, s0  }
0xbf: {  	s0 =	sadd.s32 $0x8F2B, s0  }
0xc0: {  	[sflag:s0] =	ssyncadd.remote.s32 $0x1  }
0xc1: {  	_ =	sfence.sel $0xFFFF  }
0xc2: {  	[dreg:$0x0] =	wrdreg $0xFFFFFFFF;
	(pc) =	sbr.abs _section_cstart, $3  }
0xc3: {  	[dreg:$0x1] =	wrdreg $0xFFFFFFFF  }
0xc4: {  	_ =	task.clear_ibuf [dreg:s9], $0x2FFFF;
	_ =	strace $0x9FFFFFFF  }
0xc5: {  	(tm) =	ssettm $0x7FFFFFFF  }
tec
execute0_lowered:
.L_overlay_start_1:
0x0: {  	(tag) =	ssettag $0x1  }
0x1: {  	s0 =	rddreg [dreg:$0x0]  }
0x2: {  	s1 =	rddreg [dreg:$0x1]  }
0x3: {  	s3 =	rddreg [dreg:$0x2]  }
0x4: {  	s2 =	simm.s32 $0x0;
	s4 =	srdreg.scid;
	s11 =	stileid.u32  }
0x5: {  	s4 =	sand.u32 $0x1, s4;
	s7 =	sshll.u32 s11, $0x1;
	s8 =	sshll.u32 s11, $0x2  }
0x6: {  	s30 =	simm.s32 $0x7;
	s9 =	sor.u32 s4, s7;
	s12 =	sand.u32 $0x30, s8  }
0x7: {  	[smem:$0x7FF] =	sst s2;
	s0 =	sadd.s32 s0, s12;
	s13 =	sshll.u32 s9, $0xF  }
0x8: {  	_ =	strace $0x80000047;
	[dreg:$0x4] =	wrdreg s0;
	s12 =	sadd.s32 s3, s13  }
0x9: {  	s22 =	sand.u32 $0x3, s11;
	s0 =	sadd.s32 $0x800, s12;
	[dreg:$0x5] =	wrdreg s12  }
0xa: {  	s11 =	simm.s32 $0x13000;
	s14 =	sadd.s32 $0x1000, s12;
	[dreg:$0x6] =	wrdreg s0  }
0xb: {  	s5 =	ssub.s32 $0x2, s4;
	s15 =	sadd.s32 $0x1800, s12;
	[dreg:$0x7] =	wrdreg s14  }
0xc: {  	s8 =	sadd.s32 $0x200, s1;
	s16 =	sadd.s32 $0x2000, s12;
	[dreg:$0x8] =	wrdreg s15  }
0xd: {  	s23 =	sshll.u32 s4, $0x4;
	s17 =	sadd.s32 $0x2800, s12;
	[dreg:$0x9] =	wrdreg s16  }
0xe: {  	s6 =	sshrl.u32 s5, $0x1;
	s18 =	sadd.s32 $0x3000, s12;
	[dreg:$0xa] =	wrdreg s17  }
0xf: {  	s7 =	sand.u32 $0x7, s9;
	s19 =	sadd.s32 $0x3800, s12;
	[dreg:$0xb] =	wrdreg s18  }
0x10: {  	s9 =	sadd.s32 $0x300, s1;
	s20 =	sadd.s32 $0x4000, s12;
	[dreg:$0xc] =	wrdreg s19  }
0x11: {  	s10 =	ssub.s32 s5, s6;
	s21 =	sadd.s32 $0x4800, s12;
	[dreg:$0xd] =	wrdreg s20  }
0x12: {  	s5 =	sshll.u32 s7, $0x8;
	s3 =	sadd.s32 $0x5000, s12;
	[dreg:$0xe] =	wrdreg s21  }
0x13: {  	s6 =	sadd.s32 $0x100, s1;
	s24 =	sadd.s32 $0x5800, s12;
	[dreg:$0xf] =	wrdreg s3  }
0x14: {  	p0 =	seq.s32 s7, $0x0;
	s25 =	sadd.s32 $0x6000, s12;
	[dreg:$0x10] =	wrdreg s24  }
0x15: {  	s13 =	simm.s32 $0x13800;
	s26 =	sadd.s32 $0x6800, s12;
	[dreg:$0x11] =	wrdreg s25  }
0x16: {  	s28 =	sadd.s32 $0x7000, s12;
	s29 =	smax.u32 s10, $0x1;
	[dreg:$0x13] =	wrdreg s26  }
.Ltmp0:
0x17: {  	s31 =	sadd.s32 $0x7800, s12;
	[dreg:$0x14] =	wrdreg s28;
	(pc) =	sbr.rel .LBB2_1-.Ltmp0, $4  }
0x18: {  	s12 =	simm.s32 $0x1000;
	s0 =	sshll.u32 s22, $0x5;
	[dreg:$0x15] =	wrdreg s29  }
0x19: {  	v3 =	vlaneseq.u32;
	[dreg:$0x16] =	wrdreg s31;
	s20 =	simm.s32 $0x5000;
	s16 =	simm.s32 $0x9000  }
0x1a: {  	v0 =	vimm.s32 $0x0;
	vm0 =	vmmov $0xffff;
	v2 =	vshrl.u32 v3, $0x3;
	s14 =	simm.s32 $0x14000;
	s15 =	simm.s32 $0x14800;
	s0 =	sor.u32 s23, s0  }
0x1b: {  	v1 =	vand.u32 $0x7, v3;
	v3 =	vor.u32 $0x8, v3;
	v2 =	vmul.u32 $0x8, v2;
	s17 =	simm.s32 $0x1;
	[dreg:$0x12] =	wrdreg s0;
	s0 =	simm.s32 $0x0  }
.LBB2_3:
0x1c: {  	s3 =	simm.s32 $0x0  }
.LBB2_14:
0x1d: {  	v4 =	vsel vm1, $0x1, v0  }
0x1e: {  	(xrf0) =	vadd.scan.msk.s32 $0xffff, v4;
	_ =	sdelay $0x2  }
0x1f: {  	v4, _, _ =	vpop @p1 (xrf0)  }
0x20: {  	(v2sf) =	vpush @p1 v4, $0xF;
	_ =	sdelay $0x1  }
0x21: {  	v4, _, _ =	vpop (xrf0)  }
0x22: {  	(v2sf) =	vpush v4, $0xF;
	_ =	sdelay $0x7  }
0x23: {  	s4 =	spop @p3 (v2sf);
	s3 =	sadd.s32 @p4 s3, s28;
	s28 =	simm.s32 $0x0  }
0x24: {  	s4 =	smov.u32 @p3 s4;
	s28 =	smov.u32 @p4 s3  }
0x25: {  	s3 =	sadd.s32 @p3 s28, s4;
	s28 =	simm.s32 $0x0;
	s4 =	spop @p2 (v2sf)  }
0x26: {  	s28 =	smov.u32 @p3 s3;
	s4 =	smov.u32 @p2 s4  }
0x27: {  	s3 =	sadd.s32 @p2 s28, s4;
	s28 =	simm.s32 $0x0;
	s4 =	spop @p1 (v2sf)  }
0x28: {  	s28 =	smov.u32 @p2 s3;
	s4 =	smov.u32 @p1 s4  }
0x29: {  	s3 =	sadd.s32 @p1 s28, s4;
	s4 =	simm.s32 $0x0  }
0x2a: {  	s4 =	smov.u32 @p1 s3;
	s28 =	spop (v2sf)  }
0x2b: {  	s3 =	sadd.s32 s4, s28;
	s28 =	smov.u32 s0  }
.LBB2_15:
0x2c: {  	v4 =	vld [tilespmem:s5+$0x0];
	_ =	sdelay $0x4  }
0x2d: {  	vm1 =	vne.s32 v4, $0x1  }
0x2e: {  	v4 =	vsel vm1, $0x1, v0  }
0x2f: {  	(xrf0) =	vadd.scan.msk.s32 $0xffff, v4;
	_ =	sdelay $0x5  }
0x30: {  	v4, _, _ =	vpop (xrf0)  }
0x31: {  	v5 =	vmov s3;
	(v2sf) =	vpush v4, $0xF  }
0x32: {  	v5 =	vadd.s32 $0x1, v5  }
0x33: {  	v5 =	vbroadcast v5, $0x0;
	_ =	sdelay $0x1  }
0x34: {  	v4 =	vadd.s32 v4, v5  }
0x35: {  	v4 =	vnsel vm1, $0x1, v4  }
0x36: {  	[tilespmem:$0x800] =	vst v4  }
0x37: {  	v4 =	vld [tilespmem:s5+$0x10];
	_ =	sdelay $0x4  }
0x38: {  	vm1 =	vne.s32 v4, $0x1  }
0x39: {  	v4 =	vsel vm1, $0x1, v0  }
0x3a: {  	(xrf0) =	vadd.scan.msk.s32 $0xffff, v4  }
0x3b: {  	s4 =	spop (v2sf)  }
0x3c: {  	s21 =	sadd.s32 s3, s4  }
0x3d: {  	v4 =	vmov s21  }
0x3e: {  	v4 =	vadd.s32 $0x1, v4  }
0x3f: {  	v4 =	vbroadcast v4, $0x0  }
0x40: {  	v5, _, _ =	vpop (xrf0)  }
0x41: {  	(v2sf) =	vpush v5, $0xF;
	v4 =	vadd.s32 v5, v4  }
0x42: {  	v4 =	vnsel vm1, $0x1, v4  }
0x43: {  	[tilespmem:$0x880] =	vst v4  }
0x44: {  	v4 =	vld [tilespmem:s5+$0x20];
	_ =	sdelay $0x4  }
0x45: {  	vm1 =	vne.s32 v4, $0x1  }
0x46: {  	v4 =	vsel vm1, $0x1, v0  }
0x47: {  	(xrf0) =	vadd.scan.msk.s32 $0xffff, v4;
	_ =	sdelay $0x4  }
0x48: {  	s22 =	spop (v2sf)  }
0x49: {  	s3 =	sadd.s32 s21, s22;
	v4, _, _ =	vpop (xrf0)  }
0x4a: {  	v5 =	vmov s3;
	(v2sf) =	vpush v4, $0xF  }
0x4b: {  	v5 =	vadd.s32 $0x1, v5  }
0x4c: {  	v5 =	vbroadcast v5, $0x0;
	_ =	sdelay $0x1  }
0x4d: {  	v4 =	vadd.s32 v4, v5  }
0x4e: {  	v4 =	vnsel vm1, $0x1, v4  }
0x4f: {  	[tilespmem:$0x900] =	vst v4  }
0x50: {  	v4 =	vld [tilespmem:s5+$0x30];
	_ =	sdelay $0x4  }
0x51: {  	vm1 =	vne.s32 v4, $0x1  }
0x52: {  	v4 =	vsel vm1, $0x1, v0  }
0x53: {  	(xrf0) =	vadd.scan.msk.s32 $0xffff, v4  }
0x54: {  	s23 =	spop (v2sf)  }
0x55: {  	s3 =	sadd.s32 s3, s23  }
0x56: {  	v4 =	vmov s3  }
0x57: {  	v4 =	vadd.s32 $0x1, v4  }
0x58: {  	v4 =	vbroadcast v4, $0x0  }
0x59: {  	v5, _, _ =	vpop (xrf0)  }
0x5a: {  	(v2sf) =	vpush v5, $0xF;
	v4 =	vadd.s32 v5, v4  }
0x5b: {  	v4 =	vnsel vm1, $0x1, v4  }
0x5c: {  	[tilespmem:$0x980] =	vst v4  }
0x5d: {  	v4 =	vld [tilespmem:s5+$0x40];
	_ =	sdelay $0x4  }
0x5e: {  	vm1 =	vne.s32 v4, $0x1  }
0x5f: {  	v4 =	vsel vm1, $0x1, v0  }
0x60: {  	(xrf0) =	vadd.scan.msk.s32 $0xffff, v4;
	_ =	sdelay $0x4  }
0x61: {  	s24 =	spop (v2sf)  }
0x62: {  	s3 =	sadd.s32 s3, s24;
	v4, _, _ =	vpop (xrf0)  }
0x63: {  	v5 =	vmov s3;
	(v2sf) =	vpush v4, $0xF  }
0x64: {  	v5 =	vadd.s32 $0x1, v5  }
0x65: {  	v5 =	vbroadcast v5, $0x0;
	_ =	sdelay $0x1  }
0x66: {  	v4 =	vadd.s32 v4, v5  }
0x67: {  	v4 =	vnsel vm1, $0x1, v4  }
0x68: {  	[tilespmem:$0xA00] =	vst v4  }
0x69: {  	v4 =	vld [tilespmem:s5+$0x50];
	_ =	sdelay $0x4  }
0x6a: {  	vm1 =	vne.s32 v4, $0x1  }
0x6b: {  	v4 =	vsel vm1, $0x1, v0  }
0x6c: {  	(xrf0) =	vadd.scan.msk.s32 $0xffff, v4  }
0x6d: {  	s25 =	spop (v2sf)  }
0x6e: {  	s3 =	sadd.s32 s3, s25  }
0x6f: {  	v4 =	vmov s3  }
0x70: {  	v4 =	vadd.s32 $0x1, v4  }
0x71: {  	v4 =	vbroadcast v4, $0x0  }
0x72: {  	v5, _, _ =	vpop (xrf0)  }
0x73: {  	(v2sf) =	vpush v5, $0xF;
	v4 =	vadd.s32 v5, v4  }
0x74: {  	v4 =	vnsel vm1, $0x1, v4  }
0x75: {  	[tilespmem:$0xA80] =	vst v4  }
0x76: {  	v4 =	vld [tilespmem:s5+$0x60];
	_ =	sdelay $0x4  }
0x77: {  	vm1 =	vne.s32 v4, $0x1  }
0x78: {  	v4 =	vsel vm1, $0x1, v0  }
0x79: {  	(xrf0) =	vadd.scan.msk.s32 $0xffff, v4;
	_ =	sdelay $0x4  }
0x7a: {  	s26 =	spop (v2sf)  }
0x7b: {  	s3 =	sadd.s32 s3, s26;
	v4, _, _ =	vpop (xrf0)  }
0x7c: {  	v5 =	vmov s3;
	(v2sf) =	vpush v4, $0xF  }
0x7d: {  	v5 =	vadd.s32 $0x1, v5  }
0x7e: {  	v5 =	vbroadcast v5, $0x0;
	_ =	sdelay $0x1  }
0x7f: {  	v4 =	vadd.s32 v4, v5  }
0x80: {  	v4 =	vnsel vm1, $0x1, v4  }
0x81: {  	[tilespmem:$0xB00] =	vst v4  }
0x82: {  	v4 =	vld [tilespmem:s5+$0x70];
	_ =	sdelay $0x4  }
0x83: {  	vm1 =	vne.s32 v4, $0x1  }
0x84: {  	v4 =	vsel vm1, $0x1, v0  }
0x85: {  	(xrf0) =	vadd.scan.msk.s32 $0xffff, v4  }
0x86: {  	s29 =	spop (v2sf)  }
0x87: {  	s3 =	sadd.s32 s3, s29  }
0x88: {  	v4 =	vmov s3  }
0x89: {  	v4 =	vadd.s32 $0x1, v4  }
0x8a: {  	v4 =	vbroadcast v4, $0x0  }
0x8b: {  	v5, _, _ =	vpop (xrf0)  }
0x8c: {  	(v2sf) =	vpush v5, $0xF;
	v4 =	vadd.s32 v5, v4  }
0x8d: {  	v4 =	vnsel vm1, $0x1, v4  }
0x8e: {  	[tilespmem:$0xB80] =	vst v4  }
0x8f: {  	v4 =	vld [tilespmem:s5+$0x80];
	_ =	sdelay $0x4  }
0x90: {  	vm1 =	vne.s32 v4, $0x1  }
0x91: {  	v4 =	vsel vm1, $0x1, v0  }
0x92: {  	(xrf0) =	vadd.scan.msk.s32 $0xffff, v4;
	_ =	sdelay $0x4  }
0x93: {  	s31 =	spop (v2sf)  }
0x94: {  	s3 =	sadd.s32 s3, s31;
	v4, _, _ =	vpop (xrf0)  }
0x95: {  	v5 =	vmov s3;
	(v2sf) =	vpush v4, $0xF  }
0x96: {  	v5 =	vadd.s32 $0x1, v5  }
0x97: {  	v5 =	vbroadcast v5, $0x0;
	_ =	sdelay $0x1  }
0x98: {  	v4 =	vadd.s32 v4, v5  }
0x99: {  	v4 =	vnsel vm1, $0x1, v4  }
0x9a: {  	[tilespmem:$0xC00] =	vst v4  }
0x9b: {  	v4 =	vld [tilespmem:s5+$0x90];
	_ =	sdelay $0x4  }
0x9c: {  	vm1 =	vne.s32 v4, $0x1  }
0x9d: {  	v4 =	vsel vm1, $0x1, v0  }
0x9e: {  	(xrf0) =	vadd.scan.msk.s32 $0xffff, v4  }
0x9f: {  	s0 =	spop (v2sf)  }
0xa0: {  	s3 =	sadd.s32 s3, s0  }
0xa1: {  	v4 =	vmov s3  }
0xa2: {  	v4 =	vadd.s32 $0x1, v4  }
0xa3: {  	v4 =	vbroadcast v4, $0x0  }
0xa4: {  	v5, _, _ =	vpop (xrf0)  }
0xa5: {  	(v2sf) =	vpush v5, $0xF;
	v4 =	vadd.s32 v5, v4  }
0xa6: {  	v4 =	vnsel vm1, $0x1, v4  }
0xa7: {  	[tilespmem:$0xC80] =	vst v4  }
0xa8: {  	v4 =	vld [tilespmem:s5+$0xA0];
	_ =	sdelay $0x4  }
0xa9: {  	vm1 =	vne.s32 v4, $0x1  }
0xaa: {  	v4 =	vsel vm1, $0x1, v0  }
0xab: {  	(xrf0) =	vadd.scan.msk.s32 $0xffff, v4;
	_ =	sdelay $0x4  }
0xac: {  	s7 =	spop (v2sf)  }
0xad: {  	s3 =	sadd.s32 s3, s7;
	v4, _, _ =	vpop (xrf0)  }
0xae: {  	v5 =	vmov s3;
	(v2sf) =	vpush v4, $0xF  }
0xaf: {  	v5 =	vadd.s32 $0x1, v5  }
0xb0: {  	v5 =	vbroadcast v5, $0x0;
	_ =	sdelay $0x1  }
0xb1: {  	v4 =	vadd.s32 v4, v5  }
0xb2: {  	v4 =	vnsel vm1, $0x1, v4  }
0xb3: {  	[tilespmem:$0xD00] =	vst v4  }
0xb4: {  	v4 =	vld [tilespmem:s5+$0xB0];
	_ =	sdelay $0x4  }
0xb5: {  	vm1 =	vne.s32 v4, $0x1  }
0xb6: {  	v4 =	vsel vm1, $0x1, v0  }
0xb7: {  	(xrf0) =	vadd.scan.msk.s32 $0xffff, v4  }
0xb8: {  	s10 =	spop (v2sf)  }
0xb9: {  	s3 =	sadd.s32 s3, s10  }
0xba: {  	v4 =	vmov s3  }
0xbb: {  	v4 =	vadd.s32 $0x1, v4  }
0xbc: {  	v4 =	vbroadcast v4, $0x0  }
0xbd: {  	v5, _, _ =	vpop (xrf0)  }
0xbe: {  	(v2sf) =	vpush v5, $0xF;
	v4 =	vadd.s32 v5, v4  }
0xbf: {  	v4 =	vnsel vm1, $0x1, v4  }
0xc0: {  	[tilespmem:$0xD80] =	vst v4  }
0xc1: {  	v4 =	vld [tilespmem:s5+$0xC0];
	_ =	sdelay $0x4  }
0xc2: {  	vm1 =	vne.s32 v4, $0x1  }
0xc3: {  	v4 =	vsel vm1, $0x1, v0  }
0xc4: {  	(xrf0) =	vadd.scan.msk.s32 $0xffff, v4;
	_ =	sdelay $0x4  }
0xc5: {  	s18 =	spop (v2sf)  }
0xc6: {  	s3 =	sadd.s32 s3, s18;
	v4, _, _ =	vpop (xrf0)  }
0xc7: {  	v5 =	vmov s3;
	(v2sf) =	vpush v4, $0xF  }
0xc8: {  	v5 =	vadd.s32 $0x1, v5  }
0xc9: {  	v5 =	vbroadcast v5, $0x0;
	_ =	sdelay $0x1  }
0xca: {  	v4 =	vadd.s32 v4, v5  }
0xcb: {  	v4 =	vnsel vm1, $0x1, v4  }
0xcc: {  	[tilespmem:$0xE00] =	vst v4  }
0xcd: {  	v4 =	vld [tilespmem:s5+$0xD0];
	_ =	sdelay $0x4  }
0xce: {  	vm1 =	vne.s32 v4, $0x1  }
0xcf: {  	v4 =	vsel vm1, $0x1, v0  }
0xd0: {  	(xrf0) =	vadd.scan.msk.s32 $0xffff, v4  }
0xd1: {  	s19 =	spop (v2sf)  }
0xd2: {  	s3 =	sadd.s32 s3, s19  }
0xd3: {  	v4 =	vmov s3  }
0xd4: {  	v4 =	vadd.s32 $0x1, v4  }
0xd5: {  	v4 =	vbroadcast v4, $0x0  }
0xd6: {  	v5, _, _ =	vpop (xrf0)  }
0xd7: {  	(v2sf) =	vpush v5, $0xF;
	v4 =	vadd.s32 v5, v4  }
0xd8: {  	v4 =	vnsel vm1, $0x1, v4  }
0xd9: {  	[tilespmem:$0xE80] =	vst v4  }
0xda: {  	v4 =	vld [tilespmem:s5+$0xE0];
	_ =	sdelay $0x4  }
0xdb: {  	vm1 =	vne.s32 v4, $0x1  }
0xdc: {  	v4 =	vsel vm1, $0x1, v0  }
0xdd: {  	(xrf0) =	vadd.scan.msk.s32 $0xffff, v4;
	_ =	sdelay $0x4  }
0xde: {  	s21 =	spop (v2sf)  }
0xdf: {  	s3 =	sadd.s32 s3, s21;
	v4, _, _ =	vpop (xrf0)  }
0xe0: {  	v5 =	vmov s3;
	(v2sf) =	vpush v4, $0xF  }
0xe1: {  	v5 =	vadd.s32 $0x1, v5  }
0xe2: {  	v5 =	vbroadcast v5, $0x0;
	_ =	sdelay $0x1  }
0xe3: {  	v4 =	vadd.s32 v4, v5  }
0xe4: {  	v4 =	vnsel vm1, $0x1, v4  }
0xe5: {  	[tilespmem:$0xF00] =	vst v4  }
0xe6: {  	v4 =	vld [tilespmem:s5+$0xF0];
	_ =	sdelay $0x1  }
0xe7: {  	v5 =	vld [tilespmem:$0x800];
	_ =	sdelay $0x2  }
0xe8: {  	vm1 =	vne.s32 v4, $0x1  }
0xe9: {  	v4 =	vsel vm1, $0x1, v0  }
0xea: {  	(xrf0) =	vadd.scan.msk.s32 $0xffff, v4;
	v4 =	vshll.u32 v5, $0x3  }
0xeb: {  	v5 =	vand.u32 $0x7, v5;
	v4 =	vand.u32 $0xFFFFFFC0, v4;
	s22 =	spop (v2sf)  }
0xec: {  	v4 =	vor.u32 v5, v4;
	s3 =	sadd.s32 s3, s22  }
0xed: {  	v6 =	vperm.xlane v4, v1;
	v5 =	vmov s3  }
0xee: {  	v5 =	vadd.s32 $0x1, v5  }
0xef: {  	v6 =	vadd.s32 v2, v6;
	v5 =	vbroadcast v5, $0x0  }
0xf0: {  	v7, _, _ =	vpop (xrf0)  }
0xf1: {  	v5 =	vadd.s32 v7, v5  }
0xf2: {  	v5 =	vnsel vm1, $0x1, v5  }
0xf3: {  	[tilespmem:$0xF80] =	vst v5  }
0xf4: {  	[tilespmem:s12], [sflag:$0x1] =	stream.indirect_vreg.gather [hbm4b:s1+s2], $0x80, v6, vm0, $0xb8;
	[tilespmem:$0x19000] =	vst v63  }
0xf5: {  	s0 =	simm.s32 $0x1800;
	v4 =	vperm.xlane v4, v3  }
0xf6: {  	[tilespmem:s0], [sflag:$0x1] =	stream.indirect_vreg.gather [hbm4b:s6+s2], $0x80, v6, vm0, $0xb8;
	[tilespmem:$0x19000] =	vst v63  }
0xf7: {  	s23 =	simm.s32 $0x2000;
	v4 =	vadd.s32 v2, v4  }
0xf8: {  	[tilespmem:s23], [sflag:$0x1] =	stream.indirect_vreg.gather [hbm4b:s8+s2], $0x80, v6, vm0, $0xb8;
	[tilespmem:$0x19000] =	vst v63  }
0xf9: {  	s24 =	simm.s32 $0x2800  }
0xfa: {  	[tilespmem:s24], [sflag:$0x1] =	stream.indirect_vreg.gather [hbm4b:s9+s2], $0x80, v6, vm0, $0xb8;
	[tilespmem:$0x19000] =	vst v63  }
0xfb: {  	s25 =	simm.s32 $0x3000  }
0xfc: {  	[tilespmem:s25], [sflag:$0x1] =	stream.indirect_vreg.gather [hbm4b:s1+s2], $0x80, v4, vm0, $0xb8;
	[tilespmem:$0x19000] =	vst v63  }
0xfd: {  	s26 =	simm.s32 $0x3800  }
0xfe: {  	[tilespmem:s26], [sflag:$0x1] =	stream.indirect_vreg.gather [hbm4b:s6+s2], $0x80, v4, vm0, $0xb8;
	[tilespmem:$0x19000] =	vst v63  }
0xff: {  	s29 =	simm.s32 $0x4000  }
0x100: {  	[tilespmem:s29], [sflag:$0x1] =	stream.indirect_vreg.gather [hbm4b:s8+s2], $0x80, v4, vm0, $0xb8;
	[tilespmem:$0x19000] =	vst v63  }
0x101: {  	s3 =	simm.s32 $0x4800  }
0x102: {  	[tilespmem:s3], [sflag:$0x1] =	stream.indirect_vreg.gather [hbm4b:s9+s2], $0x80, v4, vm0, $0xb8;
	[tilespmem:$0x19000] =	vst v63  }
0x103: {  	v4 =	vld [tilespmem:$0x880];
	_ =	sdelay $0x4  }
0x104: {  	v5 =	vshll.u32 v4, $0x3  }
0x105: {  	v4 =	vand.u32 $0x7, v4;
	v5 =	vand.u32 $0xFFFFFFC0, v5  }
0x106: {  	v4 =	vor.u32 v4, v5  }
0x107: {  	v5 =	vperm.xlane v4, v1;
	_ =	sdelay $0x1  }
0x108: {  	v5 =	vadd.s32 v2, v5;
	_ =	sdelay $0x4  }
0x109: {  	[tilespmem:s20], [sflag:$0x2] =	stream.indirect_vreg.gather [hbm4b:s1+s2], $0x80, v5, vm0, $0xb8;
	[tilespmem:$0x19000] =	vst v63  }
0x10a: {  	s4 =	simm.s32 $0x5800;
	v4 =	vperm.xlane v4, v3  }
0x10b: {  	[tilespmem:s4], [sflag:$0x2] =	stream.indirect_vreg.gather [hbm4b:s6+s2], $0x80, v5, vm0, $0xb8;
	[tilespmem:$0x19000] =	vst v63  }
0x10c: {  	s7 =	simm.s32 $0x6000;
	v4 =	vadd.s32 v2, v4  }
0x10d: {  	[tilespmem:s7], [sflag:$0x2] =	stream.indirect_vreg.gather [hbm4b:s8+s2], $0x80, v5, vm0, $0xb8;
	[tilespmem:$0x19000] =	vst v63  }
0x10e: {  	s10 =	simm.s32 $0x6800  }
0x10f: {  	[tilespmem:s10], [sflag:$0x2] =	stream.indirect_vreg.gather [hbm4b:s9+s2], $0x80, v5, vm0, $0xb8;
	[tilespmem:$0x19000] =	vst v63  }
0x110: {  	s25 =	simm.s32 $0x7000  }
0x111: {  	[tilespmem:s25], [sflag:$0x2] =	stream.indirect_vreg.gather [hbm4b:s1+s2], $0x80, v4, vm0, $0xb8;
	[tilespmem:$0x19000] =	vst v63  }
0x112: {  	s29 =	simm.s32 $0x7800  }
0x113: {  	[tilespmem:s29], [sflag:$0x2] =	stream.indirect_vreg.gather [hbm4b:s6+s2], $0x80, v4, vm0, $0xb8;
	[tilespmem:$0x19000] =	vst v63  }
0x114: {  	s3 =	simm.s32 $0x8000  }
0x115: {  	[tilespmem:s3], [sflag:$0x2] =	stream.indirect_vreg.gather [hbm4b:s8+s2], $0x80, v4, vm0, $0xb8;
	[tilespmem:$0x19000] =	vst v63  }
0x116: {  	s4 =	simm.s32 $0x8800  }
0x117: {  	[tilespmem:s4], [sflag:$0x2] =	stream.indirect_vreg.gather [hbm4b:s9+s2], $0x80, v4, vm0, $0xb8;
	[tilespmem:$0x19000] =	vst v63  }
0x118: {  	v4 =	vld [tilespmem:$0x900];
	_ =	sdelay $0x4  }
0x119: {  	v5 =	vshll.u32 v4, $0x3  }
0x11a: {  	v4 =	vand.u32 $0x7, v4;
	v5 =	vand.u32 $0xFFFFFFC0, v5  }
0x11b: {  	v4 =	vor.u32 v4, v5  }
0x11c: {  	v5 =	vperm.xlane v4, v1;
	_ =	sdelay $0x1  }
0x11d: {  	v5 =	vadd.s32 v2, v5;
	_ =	sdelay $0x4  }
0x11e: {  	[tilespmem:s16], [sflag:$0x3] =	stream.indirect_vreg.gather [hbm4b:s1+s2], $0x80, v5, vm0, $0xb8;
	[tilespmem:$0x19000] =	vst v63  }
0x11f: {  	s7 =	simm.s32 $0x9800;
	v4 =	vperm.xlane v4, v3  }
0x120: {  	[tilespmem:s7], [sflag:$0x3] =	stream.indirect_vreg.gather [hbm4b:s6+s2], $0x80, v5, vm0, $0xb8;
	[tilespmem:$0x19000] =	vst v63  }
0x121: {  	s10 =	simm.s32 $0xA000;
	v4 =	vadd.s32 v2, v4  }
0x122: {  	[tilespmem:s10], [sflag:$0x3] =	stream.indirect_vreg.gather [hbm4b:s8+s2], $0x80, v5, vm0, $0xb8;
	[tilespmem:$0x19000] =	vst v63  }
0x123: {  	s29 =	simm.s32 $0xA800  }
0x124: {  	[tilespmem:s29], [sflag:$0x3] =	stream.indirect_vreg.gather [hbm4b:s9+s2], $0x80, v5, vm0, $0xb8;
	[tilespmem:$0x19000] =	vst v63  }
0x125: {  	s3 =	simm.s32 $0xB000  }
0x126: {  	[tilespmem:s3], [sflag:$0x3] =	stream.indirect_vreg.gather [hbm4b:s1+s2], $0x80, v4, vm0, $0xb8;
	[tilespmem:$0x19000] =	vst v63  }
0x127: {  	s4 =	simm.s32 $0xB800  }
0x128: {  	[tilespmem:s4], [sflag:$0x3] =	stream.indirect_vreg.gather [hbm4b:s6+s2], $0x80, v4, vm0, $0xb8;
	[tilespmem:$0x19000] =	vst v63  }
0x129: {  	s7 =	simm.s32 $0xC000  }
0x12a: {  	[tilespmem:s7], [sflag:$0x3] =	stream.indirect_vreg.gather [hbm4b:s8+s2], $0x80, v4, vm0, $0xb8;
	[tilespmem:$0x19000] =	vst v63  }
0x12b: {  	s10 =	simm.s32 $0xC800  }
0x12c: {  	[tilespmem:s10], [sflag:$0x3] =	stream.indirect_vreg.gather [hbm4b:s9+s2], $0x80, v4, vm0, $0xb8;
	[tilespmem:$0x19000] =	vst v63  }
0x12d: {  	v4 =	vld [tilespmem:$0x980];
	_ =	sdelay $0x4  }
0x12e: {  	v5 =	vshll.u32 v4, $0x3  }
0x12f: {  	v4 =	vand.u32 $0x7, v4;
	v5 =	vand.u32 $0xFFFFFFC0, v5  }
0x130: {  	v4 =	vor.u32 v4, v5  }
0x131: {  	v5 =	vperm.xlane v4, v1;
	_ =	sdelay $0x1  }
0x132: {  	v5 =	vadd.s32 v2, v5;
	_ =	sdelay $0x3  }
0x133: {  	s0 =	simm.s32 $0xD000  }
0x134: {  	[tilespmem:s0], [sflag:$0x4] =	stream.indirect_vreg.gather [hbm4b:s1+s2], $0x80, v5, vm0, $0xb8;
	[tilespmem:$0x19000] =	vst v63  }
0x135: {  	s29 =	simm.s32 $0xD800;
	v4 =	vperm.xlane v4, v3  }
0x136: {  	[tilespmem:s29], [sflag:$0x4] =	stream.indirect_vreg.gather [hbm4b:s6+s2], $0x80, v5, vm0, $0xb8;
	[tilespmem:$0x19000] =	vst v63  }
0x137: {  	s4 =	simm.s32 $0xE000;
	v4 =	vadd.s32 v2, v4  }
0x138: {  	[tilespmem:s4], [sflag:$0x4] =	stream.indirect_vreg.gather [hbm4b:s8+s2], $0x80, v5, vm0, $0xb8;
	[tilespmem:$0x19000] =	vst v63  }
0x139: {  	s7 =	simm.s32 $0xE800  }
0x13a: {  	[tilespmem:s7], [sflag:$0x4] =	stream.indirect_vreg.gather [hbm4b:s9+s2], $0x80, v5, vm0, $0xb8;
	[tilespmem:$0x19000] =	vst v63  }
0x13b: {  	s10 =	simm.s32 $0xF000  }
0x13c: {  	[tilespmem:s10], [sflag:$0x4] =	stream.indirect_vreg.gather [hbm4b:s1+s2], $0x80, v4, vm0, $0xb8;
	[tilespmem:$0x19000] =	vst v63  }
0x13d: {  	s29 =	simm.s32 $0xF800  }
0x13e: {  	[tilespmem:s29], [sflag:$0x4] =	stream.indirect_vreg.gather [hbm4b:s6+s2], $0x80, v4, vm0, $0xb8;
	[tilespmem:$0x19000] =	vst v63  }
0x13f: {  	s4 =	simm.s32 $0x10000  }
0x140: {  	[tilespmem:s4], [sflag:$0x4] =	stream.indirect_vreg.gather [hbm4b:s8+s2], $0x80, v4, vm0, $0xb8;
	[tilespmem:$0x19000] =	vst v63  }
0x141: {  	s7 =	simm.s32 $0x10800  }
0x142: {  	[tilespmem:s7], [sflag:$0x4] =	stream.indirect_vreg.gather [hbm4b:s9+s2], $0x80, v4, vm0, $0xb8;
	[tilespmem:$0x19000] =	vst v63  }
0x143: {  	v4 =	vld [tilespmem:$0xA00];
	_ =	sdelay $0x4  }
0x144: {  	v5 =	vshll.u32 v4, $0x3  }
0x145: {  	v4 =	vand.u32 $0x7, v4;
	v5 =	vand.u32 $0xFFFFFFC0, v5  }
0x146: {  	v4 =	vor.u32 v4, v5  }
0x147: {  	v5 =	vperm.xlane v4, v1;
	_ =	sdelay $0x1  }
0x148: {  	v5 =	vadd.s32 v2, v5;
	_ =	sdelay $0x3  }
0x149: {  	s10 =	simm.s32 $0x11000  }
0x14a: {  	[tilespmem:s10], [sflag:$0x5] =	stream.indirect_vreg.gather [hbm4b:s1+s2], $0x80, v5, vm0, $0xb8;
	[tilespmem:$0x19000] =	vst v63  }
0x14b: {  	s4 =	simm.s32 $0x11800;
	v4 =	vperm.xlane v4, v3  }
0x14c: {  	[tilespmem:s4], [sflag:$0x5] =	stream.indirect_vreg.gather [hbm4b:s6+s2], $0x80, v5, vm0, $0xb8;
	[tilespmem:$0x19000] =	vst v63  }
0x14d: {  	s7 =	simm.s32 $0x12000;
	v4 =	vadd.s32 v2, v4  }
0x14e: {  	[tilespmem:s7], [sflag:$0x5] =	stream.indirect_vreg.gather [hbm4b:s8+s2], $0x80, v5, vm0, $0xb8;
	[tilespmem:$0x19000] =	vst v63  }
0x14f: {  	s10 =	simm.s32 $0x12800  }
0x150: {  	[tilespmem:s10], [sflag:$0x5] =	stream.indirect_vreg.gather [hbm4b:s9+s2], $0x80, v5, vm0, $0xb8;
	[tilespmem:$0x19000] =	vst v63  }
0x151: {  	_ = 	snop  }
0x152: {  	[tilespmem:s11], [sflag:$0x5] =	stream.indirect_vreg.gather [hbm4b:s1+s2], $0x80, v4, vm0, $0xb8;
	[tilespmem:$0x19000] =	vst v63  }
0x153: {  	_ = 	snop  }
0x154: {  	[tilespmem:s13], [sflag:$0x5] =	stream.indirect_vreg.gather [hbm4b:s6+s2], $0x80, v4, vm0, $0xb8;
	[tilespmem:$0x19000] =	vst v63  }
0x155: {  	_ = 	snop  }
0x156: {  	[tilespmem:s14], [sflag:$0x5] =	stream.indirect_vreg.gather [hbm4b:s8+s2], $0x80, v4, vm0, $0xb8;
	[tilespmem:$0x19000] =	vst v63  }
0x157: {  	_ = 	snop  }
0x158: {  	[tilespmem:s15], [sflag:$0x5] =	stream.indirect_vreg.gather [hbm4b:s9+s2], $0x80, v4, vm0, $0xb8;
	[tilespmem:$0x19000] =	vst v63  }
0x159: {  	v4 =	vld [tilespmem:$0xA80];
	_ =	sdelay $0x4  }
0x15a: {  	v5 =	vshll.u32 v4, $0x3  }
0x15b: {  	v4 =	vand.u32 $0x7, v4;
	v5 =	vand.u32 $0xFFFFFFC0, v5  }
0x15c: {  	v4 =	vor.u32 v4, v5  }
0x15d: {  	v5 =	vperm.xlane v4, v1;
	_ =	sdelay $0x1  }
0x15e: {  	v5 =	vadd.s32 v2, v5;
	_ =	sdelay $0x3  }
0x15f: {  	s29 =	simm.s32 $0x15000  }
0x160: {  	[tilespmem:s29], [sflag:$0x6] =	stream.indirect_vreg.gather [hbm4b:s1+s2], $0x80, v5, vm0, $0xb8;
	[tilespmem:$0x19000] =	vst v63  }
0x161: {  	v4 =	vperm.xlane v4, v3;
	s29 =	simm.s32 $0x15800  }
0x162: {  	[tilespmem:s29], [sflag:$0x6] =	stream.indirect_vreg.gather [hbm4b:s6+s2], $0x80, v5, vm0, $0xb8;
	[tilespmem:$0x19000] =	vst v63  }
0x163: {  	s3 =	simm.s32 $0x16000;
	v4 =	vadd.s32 v2, v4  }
0x164: {  	[tilespmem:s3], [sflag:$0x6] =	stream.indirect_vreg.gather [hbm4b:s8+s2], $0x80, v5, vm0, $0xb8;
	[tilespmem:$0x19000] =	vst v63  }
0x165: {  	s3 =	simm.s32 $0x16800  }
0x166: {  	[tilespmem:s3], [sflag:$0x6] =	stream.indirect_vreg.gather [hbm4b:s9+s2], $0x80, v5, vm0, $0xb8;
	[tilespmem:$0x19000] =	vst v63  }
0x167: {  	s3 =	simm.s32 $0x17000  }
0x168: {  	[tilespmem:s3], [sflag:$0x6] =	stream.indirect_vreg.gather [hbm4b:s1+s2], $0x80, v4, vm0, $0xb8;
	[tilespmem:$0x19000] =	vst v63  }
0x169: {  	s3 =	simm.s32 $0x17800  }
0x16a: {  	[tilespmem:s3], [sflag:$0x6] =	stream.indirect_vreg.gather [hbm4b:s6+s2], $0x80, v4, vm0, $0xb8;
	[tilespmem:$0x19000] =	vst v63  }
0x16b: {  	s3 =	simm.s32 $0x18000  }
0x16c: {  	[tilespmem:s3], [sflag:$0x6] =	stream.indirect_vreg.gather [hbm4b:s8+s2], $0x80, v4, vm0, $0xb8;
	[tilespmem:$0x19000] =	vst v63  }
0x16d: {  	s3 =	simm.s32 $0x18800  }
0x16e: {  	[tilespmem:s3], [sflag:$0x6] =	stream.indirect_vreg.gather [hbm4b:s9+s2], $0x80, v4, vm0, $0xb8;
	[tilespmem:$0x19000] =	vst v63  }
0x16f: {  	_ =	swait.ge [sflag:s17], $0x4000  }
0x170: {  	[sflag:s17] =	ssyncset.done $0x0  }
0x171: {  	s3 =	rddreg [dreg:$0x5];
	[sflag:s17] =	ssyncadd.s32 $0xFFFFC000  }
0x172: {  	[hbm4b:s3+s2] =	stream.linear.scatter [tilespmem:s12], [sflag:$0x7], $0x4000, $0x38;
	[tilespmem:$0x19000] =	vst v63  }
0x173: {  	_ =	swait.ge [sflag:s30], $0x4000  }
0x174: {  	[sflag:s30] =	ssyncset.done $0x0  }
0x175: {  	[sflag:s30] =	ssyncadd.s32 $0xFFFFC000  }
0x176: {  	v4 =	vld [tilespmem:$0xB00];
	_ =	sdelay $0x4  }
0x177: {  	v5 =	vshll.u32 v4, $0x3  }
0x178: {  	v4 =	vand.u32 $0x7, v4;
	v5 =	vand.u32 $0xFFFFFFC0, v5  }
0x179: {  	v4 =	vor.u32 v4, v5  }
0x17a: {  	v5 =	vperm.xlane v4, v1;
	_ =	sdelay $0x1  }
0x17b: {  	v5 =	vadd.s32 v2, v5;
	_ =	sdelay $0x4  }
0x17c: {  	[tilespmem:s12], [sflag:$0x1] =	stream.indirect_vreg.gather [hbm4b:s1+s2], $0x80, v5, vm0, $0xb8;
	[tilespmem:$0x19000] =	vst v63  }
0x17d: {  	s18 =	simm.s32 $0x1800;
	v4 =	vperm.xlane v4, v3  }
0x17e: {  	[tilespmem:s18], [sflag:$0x1] =	stream.indirect_vreg.gather [hbm4b:s6+s2], $0x80, v5, vm0, $0xb8;
	[tilespmem:$0x19000] =	vst v63  }
0x17f: {  	s23 =	simm.s32 $0x2000;
	v4 =	vadd.s32 v2, v4  }
0x180: {  	[tilespmem:s23], [sflag:$0x1] =	stream.indirect_vreg.gather [hbm4b:s8+s2], $0x80, v5, vm0, $0xb8;
	[tilespmem:$0x19000] =	vst v63  }
0x181: {  	s31 =	simm.s32 $0x2800  }
0x182: {  	[tilespmem:s31], [sflag:$0x1] =	stream.indirect_vreg.gather [hbm4b:s9+s2], $0x80, v5, vm0, $0xb8;
	[tilespmem:$0x19000] =	vst v63  }
0x183: {  	s24 =	simm.s32 $0x3000  }
0x184: {  	[tilespmem:s24], [sflag:$0x1] =	stream.indirect_vreg.gather [hbm4b:s1+s2], $0x80, v4, vm0, $0xb8;
	[tilespmem:$0x19000] =	vst v63  }
0x185: {  	s21 =	simm.s32 $0x3800  }
0x186: {  	[tilespmem:s21], [sflag:$0x1] =	stream.indirect_vreg.gather [hbm4b:s6+s2], $0x80, v4, vm0, $0xb8;
	[tilespmem:$0x19000] =	vst v63  }
0x187: {  	s22 =	simm.s32 $0x4000  }
0x188: {  	[tilespmem:s22], [sflag:$0x1] =	stream.indirect_vreg.gather [hbm4b:s8+s2], $0x80, v4, vm0, $0xb8;
	[tilespmem:$0x19000] =	vst v63  }
0x189: {  	s19 =	simm.s32 $0x4800;
	s31 =	simm.s32 $0x2  }
0x18a: {  	[tilespmem:s19], [sflag:$0x1] =	stream.indirect_vreg.gather [hbm4b:s9+s2], $0x80, v4, vm0, $0xb8;
	[tilespmem:$0x19000] =	vst v63  }
0x18b: {  	_ =	swait.ge [sflag:s31], $0x4000  }
0x18c: {  	[sflag:s31] =	ssyncset.done $0x0  }
0x18d: {  	s18 =	rddreg [dreg:$0x6];
	[sflag:s31] =	ssyncadd.s32 $0xFFFFC000  }
0x18e: {  	[hbm4b:s18+s2] =	stream.linear.scatter [tilespmem:s20], [sflag:$0x8], $0x4000, $0x38;
	[tilespmem:$0x19000] =	vst v63  }
0x18f: {  	s18 =	simm.s32 $0x8  }
0x190: {  	_ =	swait.ge [sflag:s18], $0x4000  }
0x191: {  	[sflag:s18] =	ssyncset.done $0x0  }
0x192: {  	[sflag:s18] =	ssyncadd.s32 $0xFFFFC000  }
0x193: {  	v4 =	vld [tilespmem:$0xB80];
	_ =	sdelay $0x4  }
0x194: {  	v5 =	vshll.u32 v4, $0x3  }
0x195: {  	v4 =	vand.u32 $0x7, v4;
	v5 =	vand.u32 $0xFFFFFFC0, v5  }
0x196: {  	v4 =	vor.u32 v4, v5  }
0x197: {  	v5 =	vperm.xlane v4, v1;
	_ =	sdelay $0x1  }
0x198: {  	v5 =	vadd.s32 v2, v5;
	_ =	sdelay $0x4  }
0x199: {  	[tilespmem:s20], [sflag:$0x2] =	stream.indirect_vreg.gather [hbm4b:s1+s2], $0x80, v5, vm0, $0xb8;
	[tilespmem:$0x19000] =	vst v63  }
0x19a: {  	s26 =	simm.s32 $0x5800;
	v4 =	vperm.xlane v4, v3  }
0x19b: {  	[tilespmem:s26], [sflag:$0x2] =	stream.indirect_vreg.gather [hbm4b:s6+s2], $0x80, v5, vm0, $0xb8;
	[tilespmem:$0x19000] =	vst v63  }
0x19c: {  	s19 =	simm.s32 $0x6000;
	v4 =	vadd.s32 v2, v4  }
0x19d: {  	[tilespmem:s19], [sflag:$0x2] =	stream.indirect_vreg.gather [hbm4b:s8+s2], $0x80, v5, vm0, $0xb8;
	[tilespmem:$0x19000] =	vst v63  }
0x19e: {  	s21 =	simm.s32 $0x6800  }
0x19f: {  	[tilespmem:s21], [sflag:$0x2] =	stream.indirect_vreg.gather [hbm4b:s9+s2], $0x80, v5, vm0, $0xb8;
	[tilespmem:$0x19000] =	vst v63  }
0x1a0: {  	s22 =	simm.s32 $0x7000  }
0x1a1: {  	[tilespmem:s22], [sflag:$0x2] =	stream.indirect_vreg.gather [hbm4b:s1+s2], $0x80, v4, vm0, $0xb8;
	[tilespmem:$0x19000] =	vst v63  }
0x1a2: {  	s23 =	simm.s32 $0x7800  }
0x1a3: {  	[tilespmem:s23], [sflag:$0x2] =	stream.indirect_vreg.gather [hbm4b:s6+s2], $0x80, v4, vm0, $0xb8;
	[tilespmem:$0x19000] =	vst v63  }
0x1a4: {  	s24 =	simm.s32 $0x8000  }
0x1a5: {  	[tilespmem:s24], [sflag:$0x2] =	stream.indirect_vreg.gather [hbm4b:s8+s2], $0x80, v4, vm0, $0xb8;
	[tilespmem:$0x19000] =	vst v63  }
0x1a6: {  	s25 =	simm.s32 $0x8800;
	s19 =	simm.s32 $0x3  }
0x1a7: {  	[tilespmem:s25], [sflag:$0x2] =	stream.indirect_vreg.gather [hbm4b:s9+s2], $0x80, v4, vm0, $0xb8;
	[tilespmem:$0x19000] =	vst v63  }
0x1a8: {  	_ =	swait.ge [sflag:s19], $0x4000  }
0x1a9: {  	[sflag:s19] =	ssyncset.done $0x0  }
0x1aa: {  	s21 =	simm.s32 $0x9;
	s25 =	rddreg [dreg:$0x7];
	[sflag:s19] =	ssyncadd.s32 $0xFFFFC000  }
0x1ab: {  	[hbm4b:s25+s2] =	stream.linear.scatter [tilespmem:s16], [sflag:$0x9], $0x4000, $0x38;
	[tilespmem:$0x19000] =	vst v63  }
0x1ac: {  	_ =	swait.ge [sflag:s21], $0x4000  }
0x1ad: {  	[sflag:s21] =	ssyncset.done $0x0  }
0x1ae: {  	[sflag:s21] =	ssyncadd.s32 $0xFFFFC000  }
0x1af: {  	v4 =	vld [tilespmem:$0xC00];
	_ =	sdelay $0x4  }
0x1b0: {  	v5 =	vshll.u32 v4, $0x3  }
0x1b1: {  	v4 =	vand.u32 $0x7, v4;
	v5 =	vand.u32 $0xFFFFFFC0, v5  }
0x1b2: {  	v4 =	vor.u32 v4, v5  }
0x1b3: {  	v5 =	vperm.xlane v4, v1;
	_ =	sdelay $0x1  }
0x1b4: {  	v5 =	vadd.s32 v2, v5;
	_ =	sdelay $0x4  }
0x1b5: {  	[tilespmem:s16], [sflag:$0x3] =	stream.indirect_vreg.gather [hbm4b:s1+s2], $0x80, v5, vm0, $0xb8;
	[tilespmem:$0x19000] =	vst v63  }
0x1b6: {  	s26 =	simm.s32 $0x9800;
	v4 =	vperm.xlane v4, v3  }
0x1b7: {  	[tilespmem:s26], [sflag:$0x3] =	stream.indirect_vreg.gather [hbm4b:s6+s2], $0x80, v5, vm0, $0xb8;
	[tilespmem:$0x19000] =	vst v63  }
0x1b8: {  	s22 =	simm.s32 $0xA000;
	v4 =	vadd.s32 v2, v4  }
0x1b9: {  	[tilespmem:s22], [sflag:$0x3] =	stream.indirect_vreg.gather [hbm4b:s8+s2], $0x80, v5, vm0, $0xb8;
	[tilespmem:$0x19000] =	vst v63  }
0x1ba: {  	s23 =	simm.s32 $0xA800  }
0x1bb: {  	[tilespmem:s23], [sflag:$0x3] =	stream.indirect_vreg.gather [hbm4b:s9+s2], $0x80, v5, vm0, $0xb8;
	[tilespmem:$0x19000] =	vst v63  }
0x1bc: {  	s24 =	simm.s32 $0xB000  }
0x1bd: {  	[tilespmem:s24], [sflag:$0x3] =	stream.indirect_vreg.gather [hbm4b:s1+s2], $0x80, v4, vm0, $0xb8;
	[tilespmem:$0x19000] =	vst v63  }
0x1be: {  	s25 =	simm.s32 $0xB800  }
0x1bf: {  	[tilespmem:s25], [sflag:$0x3] =	stream.indirect_vreg.gather [hbm4b:s6+s2], $0x80, v4, vm0, $0xb8;
	[tilespmem:$0x19000] =	vst v63  }
0x1c0: {  	s26 =	simm.s32 $0xC000  }
0x1c1: {  	[tilespmem:s26], [sflag:$0x3] =	stream.indirect_vreg.gather [hbm4b:s8+s2], $0x80, v4, vm0, $0xb8;
	[tilespmem:$0x19000] =	vst v63  }
0x1c2: {  	s22 =	simm.s32 $0xC800  }
0x1c3: {  	[tilespmem:s22], [sflag:$0x3] =	stream.indirect_vreg.gather [hbm4b:s9+s2], $0x80, v4, vm0, $0xb8;
	[tilespmem:$0x19000] =	vst v63  }
0x1c4: {  	s22 =	simm.s32 $0x4  }
0x1c5: {  	_ =	swait.ge [sflag:s22], $0x4000  }
0x1c6: {  	[sflag:s22] =	ssyncset.done $0x0  }
0x1c7: {  	s23 =	rddreg [dreg:$0x8];
	[sflag:s22] =	ssyncadd.s32 $0xFFFFC000  }
0x1c8: {  	[hbm4b:s23+s2] =	stream.linear.scatter [tilespmem:s0], [sflag:$0xA], $0x4000, $0x38;
	[tilespmem:$0x19000] =	vst v63  }
0x1c9: {  	s23 =	simm.s32 $0xA  }
0x1ca: {  	_ =	swait.ge [sflag:s23], $0x4000  }
0x1cb: {  	[sflag:s23] =	ssyncset.done $0x0  }
0x1cc: {  	[sflag:s23] =	ssyncadd.s32 $0xFFFFC000  }
0x1cd: {  	v4 =	vld [tilespmem:$0xC80];
	_ =	sdelay $0x4  }
0x1ce: {  	v5 =	vshll.u32 v4, $0x3  }
0x1cf: {  	v4 =	vand.u32 $0x7, v4;
	v5 =	vand.u32 $0xFFFFFFC0, v5  }
0x1d0: {  	v4 =	vor.u32 v4, v5  }
0x1d1: {  	v5 =	vperm.xlane v4, v1;
	_ =	sdelay $0x1  }
0x1d2: {  	v5 =	vadd.s32 v2, v5;
	_ =	sdelay $0x4  }
0x1d3: {  	[tilespmem:s0], [sflag:$0x4] =	stream.indirect_vreg.gather [hbm4b:s1+s2], $0x80, v5, vm0, $0xb8;
	[tilespmem:$0x19000] =	vst v63  }
0x1d4: {  	s24 =	simm.s32 $0xD800;
	v4 =	vperm.xlane v4, v3  }
0x1d5: {  	[tilespmem:s24], [sflag:$0x4] =	stream.indirect_vreg.gather [hbm4b:s6+s2], $0x80, v5, vm0, $0xb8;
	[tilespmem:$0x19000] =	vst v63  }
0x1d6: {  	s25 =	simm.s32 $0xE000;
	v4 =	vadd.s32 v2, v4  }
0x1d7: {  	[tilespmem:s25], [sflag:$0x4] =	stream.indirect_vreg.gather [hbm4b:s8+s2], $0x80, v5, vm0, $0xb8;
	[tilespmem:$0x19000] =	vst v63  }
0x1d8: {  	s26 =	simm.s32 $0xE800  }
0x1d9: {  	[tilespmem:s26], [sflag:$0x4] =	stream.indirect_vreg.gather [hbm4b:s9+s2], $0x80, v5, vm0, $0xb8;
	[tilespmem:$0x19000] =	vst v63  }
0x1da: {  	s24 =	simm.s32 $0xF000  }
0x1db: {  	[tilespmem:s24], [sflag:$0x4] =	stream.indirect_vreg.gather [hbm4b:s1+s2], $0x80, v4, vm0, $0xb8;
	[tilespmem:$0x19000] =	vst v63  }
0x1dc: {  	s25 =	simm.s32 $0xF800  }
0x1dd: {  	[tilespmem:s25], [sflag:$0x4] =	stream.indirect_vreg.gather [hbm4b:s6+s2], $0x80, v4, vm0, $0xb8;
	[tilespmem:$0x19000] =	vst v63  }
0x1de: {  	s26 =	simm.s32 $0x10000  }
0x1df: {  	[tilespmem:s26], [sflag:$0x4] =	stream.indirect_vreg.gather [hbm4b:s8+s2], $0x80, v4, vm0, $0xb8;
	[tilespmem:$0x19000] =	vst v63  }
0x1e0: {  	s24 =	simm.s32 $0x10800  }
0x1e1: {  	[tilespmem:s24], [sflag:$0x4] =	stream.indirect_vreg.gather [hbm4b:s9+s2], $0x80, v4, vm0, $0xb8;
	[tilespmem:$0x19000] =	vst v63  }
0x1e2: {  	s24 =	simm.s32 $0x5  }
0x1e3: {  	_ =	swait.ge [sflag:s24], $0x4000  }
0x1e4: {  	[sflag:s24] =	ssyncset.done $0x0  }
0x1e5: {  	s26 =	simm.s32 $0x11000;
	s25 =	rddreg [dreg:$0x9];
	[sflag:s24] =	ssyncadd.s32 $0xFFFFC000  }
0x1e6: {  	[hbm4b:s25+s2] =	stream.linear.scatter [tilespmem:s26], [sflag:$0xB], $0x4000, $0x38;
	[tilespmem:$0x19000] =	vst v63  }
0x1e7: {  	s25 =	simm.s32 $0xB  }
0x1e8: {  	_ =	swait.ge [sflag:s25], $0x4000  }
0x1e9: {  	[sflag:s25] =	ssyncset.done $0x0  }
0x1ea: {  	[sflag:s25] =	ssyncadd.s32 $0xFFFFC000  }
0x1eb: {  	v4 =	vld [tilespmem:$0xD00];
	_ =	sdelay $0x4  }
0x1ec: {  	v5 =	vshll.u32 v4, $0x3  }
0x1ed: {  	v4 =	vand.u32 $0x7, v4;
	v5 =	vand.u32 $0xFFFFFFC0, v5  }
0x1ee: {  	v4 =	vor.u32 v4, v5  }
0x1ef: {  	v5 =	vperm.xlane v4, v1;
	_ =	sdelay $0x1  }
0x1f0: {  	v5 =	vadd.s32 v2, v5;
	_ =	sdelay $0x4  }
0x1f1: {  	[tilespmem:s26], [sflag:$0x5] =	stream.indirect_vreg.gather [hbm4b:s1+s2], $0x80, v5, vm0, $0xb8;
	[tilespmem:$0x19000] =	vst v63  }
0x1f2: {  	v4 =	vperm.xlane v4, v3  }
0x1f3: {  	[tilespmem:s4], [sflag:$0x5] =	stream.indirect_vreg.gather [hbm4b:s6+s2], $0x80, v5, vm0, $0xb8;
	[tilespmem:$0x19000] =	vst v63  }
0x1f4: {  	v4 =	vadd.s32 v2, v4  }
0x1f5: {  	[tilespmem:s7], [sflag:$0x5] =	stream.indirect_vreg.gather [hbm4b:s8+s2], $0x80, v5, vm0, $0xb8;
	[tilespmem:$0x19000] =	vst v63  }
0x1f6: {  	_ = 	snop  }
0x1f7: {  	[tilespmem:s10], [sflag:$0x5] =	stream.indirect_vreg.gather [hbm4b:s9+s2], $0x80, v5, vm0, $0xb8;
	[tilespmem:$0x19000] =	vst v63  }
0x1f8: {  	_ = 	snop  }
0x1f9: {  	[tilespmem:s11], [sflag:$0x5] =	stream.indirect_vreg.gather [hbm4b:s1+s2], $0x80, v4, vm0, $0xb8;
	[tilespmem:$0x19000] =	vst v63  }
0x1fa: {  	_ = 	snop  }
0x1fb: {  	[tilespmem:s13], [sflag:$0x5] =	stream.indirect_vreg.gather [hbm4b:s6+s2], $0x80, v4, vm0, $0xb8;
	[tilespmem:$0x19000] =	vst v63  }
0x1fc: {  	_ = 	snop  }
0x1fd: {  	[tilespmem:s14], [sflag:$0x5] =	stream.indirect_vreg.gather [hbm4b:s8+s2], $0x80, v4, vm0, $0xb8;
	[tilespmem:$0x19000] =	vst v63  }
0x1fe: {  	s4 =	simm.s32 $0x6  }
0x1ff: {  	[tilespmem:s15], [sflag:$0x5] =	stream.indirect_vreg.gather [hbm4b:s9+s2], $0x80, v4, vm0, $0xb8;
	[tilespmem:$0x19000] =	vst v63  }
0x200: {  	_ =	swait.ge [sflag:s4], $0x4000  }
0x201: {  	[sflag:s4] =	ssyncset.done $0x0  }
0x202: {  	s10 =	simm.s32 $0x15000;
	s7 =	rddreg [dreg:$0xa];
	[sflag:s4] =	ssyncadd.s32 $0xFFFFC000  }
0x203: {  	[hbm4b:s7+s2] =	stream.linear.scatter [tilespmem:s10], [sflag:$0xC], $0x4000, $0x38;
	[tilespmem:$0x19000] =	vst v63  }
0x204: {  	s7 =	simm.s32 $0xC  }
0x205: {  	_ =	swait.ge [sflag:s7], $0x4000  }
0x206: {  	[sflag:s7] =	ssyncset.done $0x0  }
0x207: {  	[sflag:s7] =	ssyncadd.s32 $0xFFFFC000  }
0x208: {  	v4 =	vld [tilespmem:$0xD80];
	_ =	sdelay $0x4  }
0x209: {  	v5 =	vshll.u32 v4, $0x3  }
0x20a: {  	v4 =	vand.u32 $0x7, v4;
	v5 =	vand.u32 $0xFFFFFFC0, v5  }
0x20b: {  	v4 =	vor.u32 v4, v5  }
0x20c: {  	v5 =	vperm.xlane v4, v1;
	_ =	sdelay $0x1  }
0x20d: {  	v5 =	vadd.s32 v2, v5;
	_ =	sdelay $0x4  }
0x20e: {  	[tilespmem:s10], [sflag:$0x6] =	stream.indirect_vreg.gather [hbm4b:s1+s2], $0x80, v5, vm0, $0xb8;
	[tilespmem:$0x19000] =	vst v63  }
0x20f: {  	v4 =	vperm.xlane v4, v3  }
0x210: {  	[tilespmem:s29], [sflag:$0x6] =	stream.indirect_vreg.gather [hbm4b:s6+s2], $0x80, v5, vm0, $0xb8;
	[tilespmem:$0x19000] =	vst v63  }
0x211: {  	v4 =	vadd.s32 v2, v4;
	s29 =	simm.s32 $0x16000  }
0x212: {  	[tilespmem:s29], [sflag:$0x6] =	stream.indirect_vreg.gather [hbm4b:s8+s2], $0x80, v5, vm0, $0xb8;
	[tilespmem:$0x19000] =	vst v63  }
0x213: {  	s29 =	simm.s32 $0x16800  }
0x214: {  	[tilespmem:s29], [sflag:$0x6] =	stream.indirect_vreg.gather [hbm4b:s9+s2], $0x80, v5, vm0, $0xb8;
	[tilespmem:$0x19000] =	vst v63  }
0x215: {  	s29 =	simm.s32 $0x17000  }
0x216: {  	[tilespmem:s29], [sflag:$0x6] =	stream.indirect_vreg.gather [hbm4b:s1+s2], $0x80, v4, vm0, $0xb8;
	[tilespmem:$0x19000] =	vst v63  }
0x217: {  	s29 =	simm.s32 $0x17800  }
0x218: {  	[tilespmem:s29], [sflag:$0x6] =	stream.indirect_vreg.gather [hbm4b:s6+s2], $0x80, v4, vm0, $0xb8;
	[tilespmem:$0x19000] =	vst v63  }
0x219: {  	s29 =	simm.s32 $0x18000  }
0x21a: {  	[tilespmem:s29], [sflag:$0x6] =	stream.indirect_vreg.gather [hbm4b:s8+s2], $0x80, v4, vm0, $0xb8;
	[tilespmem:$0x19000] =	vst v63  }
0x21b: {  	s29 =	simm.s32 $0x18800  }
0x21c: {  	[tilespmem:s29], [sflag:$0x6] =	stream.indirect_vreg.gather [hbm4b:s9+s2], $0x80, v4, vm0, $0xb8;
	[tilespmem:$0x19000] =	vst v63  }
0x21d: {  	_ =	swait.ge [sflag:s17], $0x4000  }
0x21e: {  	[sflag:s17] =	ssyncset.done $0x0  }
0x21f: {  	s29 =	rddreg [dreg:$0xb];
	[sflag:s17] =	ssyncadd.s32 $0xFFFFC000  }
0x220: {  	[hbm4b:s29+s2] =	stream.linear.scatter [tilespmem:s12], [sflag:$0x7], $0x4000, $0x38;
	[tilespmem:$0x19000] =	vst v63  }
0x221: {  	_ =	swait.ge [sflag:s30], $0x4000  }
0x222: {  	[sflag:s30] =	ssyncset.done $0x0  }
0x223: {  	[sflag:s30] =	ssyncadd.s32 $0xFFFFC000  }
0x224: {  	v4 =	vld [tilespmem:$0xE00];
	_ =	sdelay $0x4  }
0x225: {  	v5 =	vshll.u32 v4, $0x3  }
0x226: {  	v4 =	vand.u32 $0x7, v4;
	v5 =	vand.u32 $0xFFFFFFC0, v5  }
0x227: {  	v4 =	vor.u32 v4, v5  }
0x228: {  	v5 =	vperm.xlane v4, v1;
	_ =	sdelay $0x1  }
0x229: {  	v5 =	vadd.s32 v2, v5;
	_ =	sdelay $0x4  }
0x22a: {  	[tilespmem:s12], [sflag:$0x1] =	stream.indirect_vreg.gather [hbm4b:s1+s2], $0x80, v5, vm0, $0xb8;
	[tilespmem:$0x19000] =	vst v63  }
0x22b: {  	s29 =	simm.s32 $0x1800;
	v4 =	vperm.xlane v4, v3  }
0x22c: {  	[tilespmem:s29], [sflag:$0x1] =	stream.indirect_vreg.gather [hbm4b:s6+s2], $0x80, v5, vm0, $0xb8;
	[tilespmem:$0x19000] =	vst v63  }
0x22d: {  	v4 =	vadd.s32 v2, v4;
	s29 =	simm.s32 $0x2000  }
0x22e: {  	[tilespmem:s29], [sflag:$0x1] =	stream.indirect_vreg.gather [hbm4b:s8+s2], $0x80, v5, vm0, $0xb8;
	[tilespmem:$0x19000] =	vst v63  }
0x22f: {  	s29 =	simm.s32 $0x2800  }
0x230: {  	[tilespmem:s29], [sflag:$0x1] =	stream.indirect_vreg.gather [hbm4b:s9+s2], $0x80, v5, vm0, $0xb8;
	[tilespmem:$0x19000] =	vst v63  }
0x231: {  	s29 =	simm.s32 $0x3000  }
0x232: {  	[tilespmem:s29], [sflag:$0x1] =	stream.indirect_vreg.gather [hbm4b:s1+s2], $0x80, v4, vm0, $0xb8;
	[tilespmem:$0x19000] =	vst v63  }
0x233: {  	s29 =	simm.s32 $0x3800  }
0x234: {  	[tilespmem:s29], [sflag:$0x1] =	stream.indirect_vreg.gather [hbm4b:s6+s2], $0x80, v4, vm0, $0xb8;
	[tilespmem:$0x19000] =	vst v63  }
0x235: {  	s29 =	simm.s32 $0x4000  }
0x236: {  	[tilespmem:s29], [sflag:$0x1] =	stream.indirect_vreg.gather [hbm4b:s8+s2], $0x80, v4, vm0, $0xb8;
	[tilespmem:$0x19000] =	vst v63  }
0x237: {  	s29 =	simm.s32 $0x4800  }
0x238: {  	[tilespmem:s29], [sflag:$0x1] =	stream.indirect_vreg.gather [hbm4b:s9+s2], $0x80, v4, vm0, $0xb8;
	[tilespmem:$0x19000] =	vst v63  }
0x239: {  	_ =	swait.ge [sflag:s31], $0x4000  }
0x23a: {  	[sflag:s31] =	ssyncset.done $0x0  }
0x23b: {  	s29 =	rddreg [dreg:$0xc];
	[sflag:s31] =	ssyncadd.s32 $0xFFFFC000  }
0x23c: {  	[hbm4b:s29+s2] =	stream.linear.scatter [tilespmem:s20], [sflag:$0x8], $0x4000, $0x38;
	[tilespmem:$0x19000] =	vst v63  }
0x23d: {  	_ =	swait.ge [sflag:s18], $0x4000  }
0x23e: {  	[sflag:s18] =	ssyncset.done $0x0  }
0x23f: {  	[sflag:s18] =	ssyncadd.s32 $0xFFFFC000  }
0x240: {  	v4 =	vld [tilespmem:$0xE80];
	_ =	sdelay $0x4  }
0x241: {  	v5 =	vshll.u32 v4, $0x3  }
0x242: {  	v4 =	vand.u32 $0x7, v4;
	v5 =	vand.u32 $0xFFFFFFC0, v5  }
0x243: {  	v4 =	vor.u32 v4, v5  }
0x244: {  	v5 =	vperm.xlane v4, v1;
	_ =	sdelay $0x1  }
0x245: {  	v5 =	vadd.s32 v2, v5;
	_ =	sdelay $0x4  }
0x246: {  	[tilespmem:s20], [sflag:$0x2] =	stream.indirect_vreg.gather [hbm4b:s1+s2], $0x80, v5, vm0, $0xb8;
	[tilespmem:$0x19000] =	vst v63  }
0x247: {  	s29 =	simm.s32 $0x5800;
	v4 =	vperm.xlane v4, v3  }
0x248: {  	[tilespmem:s29], [sflag:$0x2] =	stream.indirect_vreg.gather [hbm4b:s6+s2], $0x80, v5, vm0, $0xb8;
	[tilespmem:$0x19000] =	vst v63  }
0x249: {  	v4 =	vadd.s32 v2, v4;
	s29 =	simm.s32 $0x6000  }
0x24a: {  	[tilespmem:s29], [sflag:$0x2] =	stream.indirect_vreg.gather [hbm4b:s8+s2], $0x80, v5, vm0, $0xb8;
	[tilespmem:$0x19000] =	vst v63  }
0x24b: {  	s29 =	simm.s32 $0x6800  }
0x24c: {  	[tilespmem:s29], [sflag:$0x2] =	stream.indirect_vreg.gather [hbm4b:s9+s2], $0x80, v5, vm0, $0xb8;
	[tilespmem:$0x19000] =	vst v63  }
0x24d: {  	s29 =	simm.s32 $0x7000  }
0x24e: {  	[tilespmem:s29], [sflag:$0x2] =	stream.indirect_vreg.gather [hbm4b:s1+s2], $0x80, v4, vm0, $0xb8;
	[tilespmem:$0x19000] =	vst v63  }
0x24f: {  	s29 =	simm.s32 $0x7800  }
0x250: {  	[tilespmem:s29], [sflag:$0x2] =	stream.indirect_vreg.gather [hbm4b:s6+s2], $0x80, v4, vm0, $0xb8;
	[tilespmem:$0x19000] =	vst v63  }
0x251: {  	s29 =	simm.s32 $0x8000  }
0x252: {  	[tilespmem:s29], [sflag:$0x2] =	stream.indirect_vreg.gather [hbm4b:s8+s2], $0x80, v4, vm0, $0xb8;
	[tilespmem:$0x19000] =	vst v63  }
0x253: {  	s29 =	simm.s32 $0x8800  }
0x254: {  	[tilespmem:s29], [sflag:$0x2] =	stream.indirect_vreg.gather [hbm4b:s9+s2], $0x80, v4, vm0, $0xb8;
	[tilespmem:$0x19000] =	vst v63  }
0x255: {  	_ =	swait.ge [sflag:s19], $0x4000  }
0x256: {  	[sflag:s19] =	ssyncset.done $0x0  }
0x257: {  	s29 =	rddreg [dreg:$0xd];
	[sflag:s19] =	ssyncadd.s32 $0xFFFFC000  }
0x258: {  	[hbm4b:s29+s2] =	stream.linear.scatter [tilespmem:s16], [sflag:$0x9], $0x4000, $0x38;
	[tilespmem:$0x19000] =	vst v63  }
0x259: {  	_ =	swait.ge [sflag:s21], $0x4000  }
0x25a: {  	[sflag:s21] =	ssyncset.done $0x0  }
0x25b: {  	[sflag:s21] =	ssyncadd.s32 $0xFFFFC000  }
0x25c: {  	v4 =	vld [tilespmem:$0xF00];
	_ =	sdelay $0x4  }
0x25d: {  	v5 =	vshll.u32 v4, $0x3  }
0x25e: {  	v4 =	vand.u32 $0x7, v4;
	v5 =	vand.u32 $0xFFFFFFC0, v5  }
0x25f: {  	v4 =	vor.u32 v4, v5  }
0x260: {  	v5 =	vperm.xlane v4, v1;
	_ =	sdelay $0x1  }
0x261: {  	v5 =	vadd.s32 v2, v5;
	_ =	sdelay $0x4  }
0x262: {  	[tilespmem:s16], [sflag:$0x3] =	stream.indirect_vreg.gather [hbm4b:s1+s2], $0x80, v5, vm0, $0xb8;
	[tilespmem:$0x19000] =	vst v63  }
0x263: {  	s29 =	simm.s32 $0x9800;
	v4 =	vperm.xlane v4, v3  }
0x264: {  	[tilespmem:s29], [sflag:$0x3] =	stream.indirect_vreg.gather [hbm4b:s6+s2], $0x80, v5, vm0, $0xb8;
	[tilespmem:$0x19000] =	vst v63  }
0x265: {  	v4 =	vadd.s32 v2, v4;
	s29 =	simm.s32 $0xA000  }
0x266: {  	[tilespmem:s29], [sflag:$0x3] =	stream.indirect_vreg.gather [hbm4b:s8+s2], $0x80, v5, vm0, $0xb8;
	[tilespmem:$0x19000] =	vst v63  }
0x267: {  	s29 =	simm.s32 $0xA800  }
0x268: {  	[tilespmem:s29], [sflag:$0x3] =	stream.indirect_vreg.gather [hbm4b:s9+s2], $0x80, v5, vm0, $0xb8;
	[tilespmem:$0x19000] =	vst v63  }
0x269: {  	s29 =	simm.s32 $0xB000  }
0x26a: {  	[tilespmem:s29], [sflag:$0x3] =	stream.indirect_vreg.gather [hbm4b:s1+s2], $0x80, v4, vm0, $0xb8;
	[tilespmem:$0x19000] =	vst v63  }
0x26b: {  	s29 =	simm.s32 $0xB800  }
0x26c: {  	[tilespmem:s29], [sflag:$0x3] =	stream.indirect_vreg.gather [hbm4b:s6+s2], $0x80, v4, vm0, $0xb8;
	[tilespmem:$0x19000] =	vst v63  }
0x26d: {  	s29 =	simm.s32 $0xC000  }
0x26e: {  	[tilespmem:s29], [sflag:$0x3] =	stream.indirect_vreg.gather [hbm4b:s8+s2], $0x80, v4, vm0, $0xb8;
	[tilespmem:$0x19000] =	vst v63  }
0x26f: {  	s29 =	simm.s32 $0xC800  }
0x270: {  	[tilespmem:s29], [sflag:$0x3] =	stream.indirect_vreg.gather [hbm4b:s9+s2], $0x80, v4, vm0, $0xb8;
	[tilespmem:$0x19000] =	vst v63  }
0x271: {  	_ =	swait.ge [sflag:s22], $0x4000  }
0x272: {  	[sflag:s22] =	ssyncset.done $0x0  }
0x273: {  	s29 =	rddreg [dreg:$0xe];
	[sflag:s22] =	ssyncadd.s32 $0xFFFFC000  }
0x274: {  	[hbm4b:s29+s2] =	stream.linear.scatter [tilespmem:s0], [sflag:$0xA], $0x4000, $0x38;
	[tilespmem:$0x19000] =	vst v63  }
0x275: {  	_ =	swait.ge [sflag:s23], $0x4000  }
0x276: {  	[sflag:s23] =	ssyncset.done $0x0  }
0x277: {  	[sflag:s23] =	ssyncadd.s32 $0xFFFFC000  }
0x278: {  	v4 =	vld [tilespmem:$0xF80];
	_ =	sdelay $0x4  }
0x279: {  	v5 =	vshll.u32 v4, $0x3  }
0x27a: {  	v4 =	vand.u32 $0x7, v4;
	v5 =	vand.u32 $0xFFFFFFC0, v5  }
0x27b: {  	v4 =	vor.u32 v4, v5  }
0x27c: {  	v5 =	vperm.xlane v4, v1;
	_ =	sdelay $0x1  }
0x27d: {  	v5 =	vadd.s32 v2, v5;
	_ =	sdelay $0x4  }
0x27e: {  	[tilespmem:s0], [sflag:$0x4] =	stream.indirect_vreg.gather [hbm4b:s1+s2], $0x80, v5, vm0, $0xb8;
	[tilespmem:$0x19000] =	vst v63  }
0x27f: {  	s29 =	simm.s32 $0xD800;
	v4 =	vperm.xlane v4, v3  }
0x280: {  	[tilespmem:s29], [sflag:$0x4] =	stream.indirect_vreg.gather [hbm4b:s6+s2], $0x80, v5, vm0, $0xb8;
	[tilespmem:$0x19000] =	vst v63  }
0x281: {  	v4 =	vadd.s32 v2, v4;
	s29 =	simm.s32 $0xE000  }
0x282: {  	[tilespmem:s29], [sflag:$0x4] =	stream.indirect_vreg.gather [hbm4b:s8+s2], $0x80, v5, vm0, $0xb8;
	[tilespmem:$0x19000] =	vst v63  }
0x283: {  	s29 =	simm.s32 $0xE800  }
0x284: {  	[tilespmem:s29], [sflag:$0x4] =	stream.indirect_vreg.gather [hbm4b:s9+s2], $0x80, v5, vm0, $0xb8;
	[tilespmem:$0x19000] =	vst v63  }
0x285: {  	s29 =	simm.s32 $0xF000  }
0x286: {  	[tilespmem:s29], [sflag:$0x4] =	stream.indirect_vreg.gather [hbm4b:s1+s2], $0x80, v4, vm0, $0xb8;
	[tilespmem:$0x19000] =	vst v63  }
0x287: {  	s29 =	simm.s32 $0xF800  }
0x288: {  	[tilespmem:s29], [sflag:$0x4] =	stream.indirect_vreg.gather [hbm4b:s6+s2], $0x80, v4, vm0, $0xb8;
	[tilespmem:$0x19000] =	vst v63  }
0x289: {  	s29 =	simm.s32 $0x10000  }
0x28a: {  	[tilespmem:s29], [sflag:$0x4] =	stream.indirect_vreg.gather [hbm4b:s8+s2], $0x80, v4, vm0, $0xb8;
	[tilespmem:$0x19000] =	vst v63  }
0x28b: {  	s29 =	simm.s32 $0x10800  }
0x28c: {  	[tilespmem:s29], [sflag:$0x4] =	stream.indirect_vreg.gather [hbm4b:s9+s2], $0x80, v4, vm0, $0xb8;
	[tilespmem:$0x19000] =	vst v63  }
0x28d: {  	_ =	swait.ge [sflag:s24], $0x4000  }
0x28e: {  	[sflag:s24] =	ssyncset.done $0x0  }
0x28f: {  	s26 =	simm.s32 $0x11000;
	s29 =	rddreg [dreg:$0xf];
	[sflag:s24] =	ssyncadd.s32 $0xFFFFC000  }
0x290: {  	[hbm4b:s29+s2] =	stream.linear.scatter [tilespmem:s26], [sflag:$0xB], $0x4000, $0x38;
	[tilespmem:$0x19000] =	vst v63  }
0x291: {  	_ =	swait.ge [sflag:s4], $0x4000  }
0x292: {  	[sflag:s4] =	ssyncset.done $0x0  }
0x293: {  	s10 =	simm.s32 $0x15000;
	[sflag:s4] =	ssyncadd.s32 $0xFFFFC000;
	s4 =	rddreg [dreg:$0x10]  }
0x294: {  	[hbm4b:s4+s2] =	stream.linear.scatter [tilespmem:s10], [sflag:$0xC], $0x4000, $0x38;
	[tilespmem:$0x19000] =	vst v63  }
0x295: {  	_ =	swait.ge [sflag:s17], $0x4000  }
0x296: {  	[sflag:s17] =	ssyncset.done $0x0  }
0x297: {  	s10 =	rddreg [dreg:$0x11];
	[sflag:s17] =	ssyncadd.s32 $0xFFFFC000  }
0x298: {  	[hbm4b:s10+s2] =	stream.linear.scatter [tilespmem:s12], [sflag:$0x7], $0x4000, $0x38;
	[tilespmem:$0x19000] =	vst v63  }
0x299: {  	_ =	swait.ge [sflag:s31], $0x4000  }
0x29a: {  	[sflag:s31] =	ssyncset.done $0x0  }
0x29b: {  	s24 =	rddreg [dreg:$0x13];
	[sflag:s31] =	ssyncadd.s32 $0xFFFFC000  }
0x29c: {  	[hbm4b:s24+s2] =	stream.linear.scatter [tilespmem:s20], [sflag:$0x8], $0x4000, $0x38;
	[tilespmem:$0x19000] =	vst v63  }
0x29d: {  	_ =	swait.ge [sflag:s19], $0x4000  }
0x29e: {  	[sflag:s19] =	ssyncset.done $0x0  }
0x29f: {  	s26 =	rddreg [dreg:$0x14];
	[sflag:s19] =	ssyncadd.s32 $0xFFFFC000  }
0x2a0: {  	[hbm4b:s26+s2] =	stream.linear.scatter [tilespmem:s16], [sflag:$0x9], $0x4000, $0x38;
	[tilespmem:$0x19000] =	vst v63  }
0x2a1: {  	_ =	swait.ge [sflag:s22], $0x4000  }
0x2a2: {  	[sflag:s22] =	ssyncset.done $0x0  }
0x2a3: {  	s29 =	rddreg [dreg:$0x16];
	[sflag:s22] =	ssyncadd.s32 $0xFFFFC000  }
0x2a4: {  	[hbm4b:s29+s2] =	stream.linear.scatter [tilespmem:s0], [sflag:$0xA], $0x4000, $0x38;
	[tilespmem:$0x19000] =	vst v63  }
0x2a5: {  	_ =	swait.ge [sflag:s30], $0x4000  }
0x2a6: {  	[sflag:s30] =	ssyncset.done $0x0  }
0x2a7: {  	[sflag:s30] =	ssyncadd.s32 $0xFFFFC000  }
0x2a8: {  	_ =	swait.ge [sflag:s18], $0x4000  }
0x2a9: {  	[sflag:s18] =	ssyncset.done $0x0  }
0x2aa: {  	[sflag:s18] =	ssyncadd.s32 $0xFFFFC000  }
0x2ab: {  	_ =	swait.ge [sflag:s21], $0x4000  }
0x2ac: {  	[sflag:s21] =	ssyncset.done $0x0  }
0x2ad: {  	[sflag:s21] =	ssyncadd.s32 $0xFFFFC000  }
0x2ae: {  	_ =	swait.ge [sflag:s23], $0x4000  }
0x2af: {  	[sflag:s23] =	ssyncset.done $0x0  }
0x2b0: {  	[sflag:s23] =	ssyncadd.s32 $0xFFFFC000  }
0x2b1: {  	_ =	swait.ge [sflag:s25], $0x4000  }
0x2b2: {  	[sflag:s25] =	ssyncset.done $0x0  }
0x2b3: {  	[sflag:s25] =	ssyncadd.s32 $0xFFFFC000  }
0x2b4: {  	_ =	swait.ge [sflag:s7], $0x4000  }
0x2b5: {  	s0 =	sadd.s32 $0x1, s28;
	s31 =	rddreg [dreg:$0x15]  }
0x2b6: {  	p1 =	sne.s32 s0, s31  }
.Ltmp1:
0x2b7: {  	_ = 	snop;
	(pc) =	sbr.rel @!p1 .LBB2_16-.Ltmp1, $3  }
0x2b8: {  	_ =	sdelay $0x1  }
0x2b9: {  	[sflag:s7] =	ssyncset.done $0x0  }
0x2ba: {  	[sflag:s7] =	ssyncadd.s32 $0xFFFFC000  }
.LBB2_1:
0x2bb: {  	s3 =	rddreg [dreg:$0x4];
	s4 =	simm.s32 $0x80  }
.Ltmp2:
0x2bc: {  	s28 =	simm.s32 $0x200;
	s31 =	simm.s32 $0xD;
	(pc) =	sbr.rel @p0 .LBB2_15-.Ltmp2, $4  }
0x2bd: {  	[tilespmem:s2], [sflag:$0xD] =	stream.strided.gather [hbm4b:s3+s4], $0x800, s28, s4, $0x38;
	[tilespmem:$0x19000] =	vst v63  }
0x2be: {  	_ =	swait.ge [sflag:s31], $0x800  }
0x2bf: {  	[sflag:s31] =	ssyncset.done $0x0  }
0x2c0: {  	s3 =	simm.s32 $0x0;
	s28 =	smov.u32 s0;
	[sflag:s31] =	ssyncadd.s32 $0xFFFFF800  }
0x2c1: {  	s3 =	rddreg [dreg:$0x12]  }
0x2c2: {  	v4 =	vld [tilespmem:s2+$0x0];
	p5 =	sne.s32 s3, $0x1  }
.Ltmp3:
0x2c3: {  	_ = 	snop;
	(pc) =	sbr.rel @!p5 .LBB2_3-.Ltmp3, $4  }
0x2c4: {  	_ = 	snop  }
0x2c5: {  	s0 =	smov.u32 s28  }
0x2c6: {  	p1 =	por $0x0, $0x0;
	p2 =	por $0x0, $0x0;
	p3 =	por $0x0, $0x0  }
0x2c7: {  	p4 =	por $0x0, $0x0;
	s4 =	sadd.s32 $0xFFFFFFFF, s3;
	s3 =	sadd.s32 $0x10, s2;
	vm1 =	vne.s32 v4, $0x1  }
0x2c8: {  	v4 =	vld [tilespmem:s3+$0x0];
	p5 =	sne.s32 s4, $0x1  }
.Ltmp4:
0x2c9: {  	_ = 	snop;
	(pc) =	sbr.rel @!p5 .LBB2_5-.Ltmp4, $4  }
0x2ca: {  	_ = 	snop  }
0x2cb: {  	v5 =	vsel vm1, $0x1, v0  }
0x2cc: {  	(xrf0) =	vadd.scan.msk.s32 $0xffff, v5  }
0x2cd: {  	s4 =	sadd.s32 $0xFFFFFFFF, s4;
	s3 =	sadd.s32 $0x10, s3;
	p1 =	por $0x1, $0x1;
	vm1 =	vne.s32 v4, $0x1  }
0x2ce: {  	v4 =	vld [tilespmem:s3+$0x0];
	p5 =	sne.s32 s4, $0x1  }
.Ltmp5:
0x2cf: {  	_ = 	snop;
	(pc) =	sbr.rel @!p5 .LBB2_7-.Ltmp5, $4  }
0x2d0: {  	_ = 	snop  }
0x2d1: {  	v5 =	vsel vm1, $0x1, v0  }
0x2d2: {  	v6, _, _ =	vpop (xrf0);
	(xrf0) =	vadd.scan.msk.s32 $0xffff, v5  }
0x2d3: {  	s4 =	sadd.s32 $0xFFFFFFFF, s4;
	s3 =	sadd.s32 $0x10, s3;
	p2 =	por $0x1, $0x1;
	(v2sf) =	vpush v6, $0xF;
	vm1 =	vne.s32 v4, $0x1  }
0x2d4: {  	_ =	sdelay $0x3  }
0x2d5: {  	v6, _, _ =	vpop (xrf0)  }
0x2d6: {  	(v2sf) =	vpush v6, $0xF;
	_ =	sdelay $0x3  }
0x2d7: {  	v4 =	vld [tilespmem:s3+$0x0];
	p5 =	sne.s32 s4, $0x1  }
.Ltmp6:
0x2d8: {  	_ = 	snop;
	(pc) =	sbr.rel @!p5 .LBB2_9-.Ltmp6, $4  }
0x2d9: {  	_ = 	snop  }
0x2da: {  	v5 =	vsel vm1, $0x1, v0  }
0x2db: {  	(xrf0) =	vadd.scan.msk.s32 $0xffff, v5  }
0x2dc: {  	s4 =	sadd.s32 $0xFFFFFFFF, s4;
	s3 =	sadd.s32 $0x10, s3;
	p3 =	por $0x1, $0x1;
	vm1 =	vne.s32 v4, $0x1  }
0x2dd: {  	_ =	sdelay $0x3  }
0x2de: {  	v6, _, _ =	vpop (xrf0)  }
0x2df: {  	(v2sf) =	vpush v6, $0xF;
	_ =	sdelay $0x2  }
0x2e0: {  	v4 =	vld [tilespmem:s3+$0x0];
	p5 =	sne.s32 s4, $0x1;
	v5 =	vsel vm1, $0x1, v0  }
.Ltmp7:
0x2e1: {  	(xrf0) =	vadd.scan.msk.s32 $0xffff, v5;
	(pc) =	sbr.rel @!p5 .LBB2_11-.Ltmp7, $3  }
0x2e2: {  	_ =	sdelay $0x1  }
0x2e3: {  	s29 =	sadd.s32 $0xFFFFFFFF, s4;
	s4 =	sadd.s32 $0x10, s3  }
0x2e4: {  	s28 =	spop (v2sf);
	p4 =	por $0x1, $0x1;
	s3 =	simm.s32 $0x0;
	vm1 =	vne.s32 v4, $0x1  }
.LBB2_12:
0x2e5: {  	v4 =	vld [tilespmem:s4+$0x0];
	p5 =	sne.s32 s29, $0x1;
	s29 =	sadd.s32 $0xFFFFFFFF, s29;
	v6 =	vsel vm1, $0x1, v0;
	s3 =	sadd.s32 s3, s28  }
.Ltmp8:
0x2e6: {  	(xrf0) =	vadd.scan.msk.s32 $0xffff, v6;
	v5, _, _ =	vpop (xrf0);
	(pc) =	sbr.rel @p5 .LBB2_12-.Ltmp8, $2  }
0x2e7: {  	(v2sf) =	vpush v5, $0xF;
	_ =	sdelay $0x3  }
0x2e8: {  	s4 =	sadd.s32 $0x10, s4;
	vm1 =	vne.s32 v4, $0x1;
	s28 =	spop (v2sf)  }
.Ltmp9:
0x2e9: {  	(pc) =	sbr.rel .LBB2_14-.Ltmp9, $1  }
0x2ea: {  	_ =	sdelay $0x3  }
.LBB2_5:
.Ltmp10:
0x2eb: {  	(pc) =	sbr.rel .LBB2_14-.Ltmp10, $2  }
0x2ec: {  	_ =	sdelay $0x2  }
0x2ed: {  	s3 =	simm.s32 $0x0  }
.LBB2_7:
.Ltmp11:
0x2ee: {  	(pc) =	sbr.rel .LBB2_14-.Ltmp11, $2  }
0x2ef: {  	_ =	sdelay $0x2  }
0x2f0: {  	s3 =	simm.s32 $0x0  }
.LBB2_9:
.Ltmp12:
0x2f1: {  	(pc) =	sbr.rel .LBB2_14-.Ltmp12, $2  }
0x2f2: {  	_ =	sdelay $0x2  }
0x2f3: {  	s3 =	simm.s32 $0x0  }
.LBB2_11:
.Ltmp13:
0x2f4: {  	(pc) =	sbr.rel .LBB2_14-.Ltmp13, $2  }
0x2f5: {  	_ =	sdelay $0x2  }
0x2f6: {  	s3 =	simm.s32 $0x0  }
.LBB2_16:
0x2f7: {  	_ =	sfence.sel $0x180000  }
0x2f8: {  	[bflag:$0x0] =	sbarrier.arrive $0xFFFF  }
0x2f9: {  	_ =	strace $0x90000047  }
0x2fa: {  	s0 =	stileid.u32;
	[bflag:$0x2] =	sbarrier.arrive $0xFFFF  }
0x2fb: {  	p0 =	sne.s32 s0, $0x0;
	s0 =	rddreg [dreg:$0x3]  }
0x2fc: {  	s0 =	sadd.s32 @!p0 $0x100000, s0  }
0x2fd: {  	[sflag:s0] =	ssyncadd.tile.s32 @!p0 $0x1;
	_ =	shalt  }
.Lfunc_end2:
_tile_overlayer_lowered:
.L_overlay_start_2:
0x2fe: {  	(tag) =	ssettag $0x2  }
0x2ff: {  	s0 =	rddreg [dreg:$0x0];
	s2 =	stileid.u32  }
0x300: {  	s1 =	rddreg [dreg:$0x1];
	p0 =	sne.s32 s2, $0x0  }
0x301: {  	s3 =	rddreg [dreg:$0x2];
	[bflag:$0x3] =	sbarrier.arrive $0xFFFF;
	s2 =	simm.s32 @!p0 $0x1C0D  }
0x302: {  	[timem:s3], [sflag:s2] =	dma.local @!p0 [hbm:s0], s1  }
0x303: {  	s0 =	simm.s32 @!p0 $0xD  }
0x304: {  	_ =	swait.ge @!p0 [sflag:s0], s1  }
0x305: {  	s1 =	ssub.s32 @!p0 $0x0, s1;
	[sflag:s0] =	ssyncset.done @!p0 $0x0  }
0x306: {  	[sflag:s0] =	ssyncadd.s32 @!p0 s1  }
0x307: {  	[bflag:$0x3] =	sbarrier.arrive $0xFFFF  }
0x308: {  	_ =	shalt  }

</sc_bundles>
